<compile_context>
chip_gen: v7x
topology: tpu7x:2x2x1
jax: 0.10.2.dev20260603
libtpu: 0.0.44.dev20260713+nightly
codegen_flags: <defaults>
</compile_context>

<pallas_src>
import functools

import jax
import jax.numpy as jnp
from jax import lax
from jax.experimental import pallas as pl
from jax.experimental.pallas import tpu as pltpu
from jax.experimental.pallas import tpu_sc as plsc

_TILE = 512
_HALF = 256
_CPAD = 1024
_BIG = 1e30
_D = 256
_PIECE = 32
_SC_BATCHES = 3


def _argmin_flat_body(x_ref, c_ref, cn_ref, oe_ref, oo_ref):
    x = x_ref[...]
    prod = jnp.dot(x, c_ref[...], preferred_element_type=jnp.float32)
    x2 = jnp.sum(x * x, axis=1, keepdims=True)
    dist = (x2 - 2.0 * prod) + cn_ref[...]
    m = jnp.min(dist, axis=1, keepdims=True)
    col = lax.broadcasted_iota(jnp.int32, dist.shape, 1)
    cand = jnp.where(dist <= m, col, _CPAD)
    r = jnp.min(cand, axis=1).reshape(_HALF, 2)
    oe_ref[...] = r[:, 0]
    oo_ref[...] = r[:, 1]


def _argmin_tiled_body(x_ref, c_ref, cn_ref, o_ref):
    x = x_ref[...]
    prod = jnp.dot(x, c_ref[...], preferred_element_type=jnp.float32)
    x2 = jnp.sum(x * x, axis=1, keepdims=True)
    dist = (x2 - 2.0 * prod) + cn_ref[...]
    m = jnp.min(dist, axis=1, keepdims=True)
    col = lax.broadcasted_iota(jnp.int32, dist.shape, 1)
    cand = jnp.where(dist <= m, col, _CPAD)
    r = jnp.min(cand, axis=1).reshape(_HALF, 2)
    o_ref[0, 0, :] = r[:, 0]
    o_ref[0, 1, :] = r[:, 1]


def _cluster_ids_flat(x, c_pad, cn_pad, tile0, tiles):
    return pl.pallas_call(
        _argmin_flat_body,
        grid=(tiles,),
        in_specs=[
            pl.BlockSpec((_TILE, x.shape[1]), lambda i: (i + tile0, 0)),
            pl.BlockSpec((x.shape[1], _CPAD), lambda i: (0, 0)),
            pl.BlockSpec((1, _CPAD), lambda i: (0, 0)),
        ],
        out_specs=[
            pl.BlockSpec((_HALF,), lambda i: (i,)),
            pl.BlockSpec((_HALF,), lambda i: (i,)),
        ],
        out_shape=[
            jax.ShapeDtypeStruct((tiles * _HALF,), jnp.int32),
            jax.ShapeDtypeStruct((tiles * _HALF,), jnp.int32),
        ],
    )(x, c_pad, cn_pad)


def _cluster_ids_tiled(x, c_pad, cn_pad, tile0, tiles):
    return pl.pallas_call(
        _argmin_tiled_body,
        grid=(tiles,),
        in_specs=[
            pl.BlockSpec((_TILE, x.shape[1]), lambda i: (i + tile0, 0)),
            pl.BlockSpec((x.shape[1], _CPAD), lambda i: (0, 0)),
            pl.BlockSpec((1, _CPAD), lambda i: (0, 0)),
        ],
        out_specs=pl.BlockSpec((1, 2, _HALF), lambda i: (i, 0, 0)),
        out_shape=jax.ShapeDtypeStruct((tiles, 2, _HALF), jnp.int32),
    )(x, c_pad, cn_pad)


def _make_sc_gather(bs, positions, dd, batch0):
    mesh = plsc.VectorSubcoreMesh(core_axis_name="c", subcore_axis_name="s")
    n_workers = mesh.num_cores * mesh.num_subcores
    n_pos = (bs - batch0) * positions
    per_w = n_pos // n_workers
    n_pieces = per_w // _PIECE
    pos_base = batch0 * positions

    @functools.partial(
        pl.kernel,
        mesh=mesh,
        out_type=jax.ShapeDtypeStruct((bs, positions, dd), jnp.float32),
        scratch_types=[
            pltpu.VMEM((per_w,), jnp.int32),
            pltpu.VMEM((per_w,), jnp.int32),
            pltpu.VMEM((per_w, _D), jnp.float32),
            pltpu.VMEM((per_w, _D), jnp.float32),
            pltpu.SemaphoreType.DMA,
            pltpu.SemaphoreType.DMA,
            pltpu.SemaphoreType.DMA,
            pltpu.SemaphoreType.DMA,
        ],
    )
    def gather_kernel(table_hbm, ide_hbm, ido_hbm, out_hbm, idxe, idxo,
                      be, bo, ge, go, we, wo):
        wid = lax.axis_index("s") * mesh.num_cores + lax.axis_index("c")
        w0 = wid * per_w
        pltpu.sync_copy(ide_hbm.at[pl.ds(w0, per_w)], idxe)
        pltpu.sync_copy(ido_hbm.at[pl.ds(w0, per_w)], idxo)
        he = pltpu.async_copy(table_hbm.at[idxe], be, ge)
        ho = pltpu.async_copy(table_hbm.at[idxo], bo, go)

        def pieces(buf, half, sem):
            handles = []
            for j in range(n_pieces):
                pos = pos_base + w0 + j * _PIECE
                b = pos // positions
                p = pos % positions
                dst = out_hbm.at[b, pl.ds(p, _PIECE), pl.ds(half * _D, _D)]
                handles.append(
                    pltpu.async_copy(buf.at[pl.ds(j * _PIECE, _PIECE)],
                                     dst, sem)
                )
            return handles

        he.wait()
        ce = pieces(be, 0, we)
        ho.wait()
        co = pieces(bo, 1, wo)
        for h in ce + co:
            h.wait()

    return gather_kernel


def _onehot_body(ids_ref, emb_ref, _, o_ref):
    emb = emb_ref[...]
    iota = lax.broadcasted_iota(jnp.int32, (_HALF, _CPAD), 1)
    he = (ids_ref[0, 0, :][:, None] == iota).astype(jnp.float32)
    ho = (ids_ref[0, 1, :][:, None] == iota).astype(jnp.float32)
    o_ref[0, :, 0:_D] = jnp.dot(he, emb, preferred_element_type=jnp.float32)
    o_ref[0, :, _D:2 * _D] = jnp.dot(ho, emb, preferred_element_type=jnp.float32)


def _onehot_gather(ids, emb_pad, partial_out, tiles_per_b):
    tiles = ids.shape[0]
    bs, positions, dd = partial_out.shape
    return pl.pallas_call(
        _onehot_body,
        grid=(tiles,),
        in_specs=[
            pl.BlockSpec((1, 2, _HALF), lambda i: (i, 0, 0)),
            pl.BlockSpec((_CPAD, _D), lambda i: (0, 0)),
            pl.BlockSpec(memory_space=pl.ANY),
        ],
        out_specs=pl.BlockSpec(
            (1, _HALF, dd),
            lambda i, tb=tiles_per_b: (i // tb, i % tb, 0),
        ),
        out_shape=jax.ShapeDtypeStruct((bs, positions, dd), jnp.float32),
        input_output_aliases={2: 0},
    )(ids, emb_pad, partial_out)


def kernel(hs, C, Cnorm, emb_table):
    bs, seqlen, size = hs.shape
    n = bs * seqlen
    x = hs.reshape(n, size)
    pad = _CPAD - C.shape[1]
    c_pad = jnp.pad(C, ((0, 0), (0, pad)))
    cn_pad = jnp.pad(Cnorm, ((0, 0), (0, pad)), constant_values=_BIG)

    positions = seqlen // 2
    tiles_per_b = positions // _HALF
    lo_batches = bs - _SC_BATCHES
    lo_tiles = lo_batches * tiles_per_b
    hi_tiles = _SC_BATCHES * tiles_per_b

    ids_hi_e, ids_hi_o = _cluster_ids_flat(x, c_pad, cn_pad, lo_tiles,
                                           hi_tiles)
    sc_gather = _make_sc_gather(bs, positions, 2 * size, lo_batches)
    sc_out = sc_gather(emb_table, ids_hi_e, ids_hi_o)

    ids_lo = _cluster_ids_tiled(x, c_pad, cn_pad, 0, lo_tiles)
    emb_pad = jnp.pad(emb_table, ((0, _CPAD - emb_table.shape[0]), (0, 0)))
    return _onehot_gather(ids_lo, emb_pad, sc_out, tiles_per_b)

# --- scband reference (transcript-rebuilt; emitter-appended) ---
"""Pipeline reference for scband-upstream-expert-88287347736631 (READ-ONLY COPY).

The authoritative reference and input builder live on the scoring server;
editing this copy changes nothing except your own understanding.
"""

import jax, jax.numpy as jnp
import numpy as np

EMBEDDING_SIZE = 256
CLUSTER_NUM = 1000
STACK_NUM = 2

def setup_inputs(seed: int = 0) -> dict:
    key = jax.random.key(seed)
    k1, k2, k3 = jax.random.split(key, 3)
    hs = jax.random.normal(k1, (8, 2048, 256), dtype=jnp.float32)
    # kmeans cluster centers, stored transposed: C is [size, n_clusters]
    C = jax.random.normal(k2, (256, CLUSTER_NUM), dtype=jnp.float32)
    Cnorm = (C ** 2).sum(0, keepdims=True)  # [1, n_clusters]
    emb_table = jax.random.normal(k3, (CLUSTER_NUM, EMBEDDING_SIZE), dtype=jnp.float32) * 0.02
    return {"hs": hs, "C": C, "Cnorm": Cnorm, "emb_table": emb_table}

def reference(hs, C, Cnorm, emb_table):
    bs, seqlen, size = hs.shape
    x = hs.reshape(bs * seqlen, size)
    # ApplyKmeans: squared-distance argmin
    dist = (x ** 2).sum(1, keepdims=True) - 2.0 * jnp.matmul(x, C) + Cnorm
    cluster_ids = jnp.argmin(dist, axis=1)  # [bs*seqlen]
    codewords = jnp.take(C.T, cluster_ids, axis=0)  # [bs*seqlen, size]
    codewords = codewords.reshape(bs, seqlen, size)
    cluster_ids = cluster_ids.reshape(bs, seqlen)
    # stack_num path (embeddings is not None)
    stack_num = STACK_NUM
    trunc = seqlen // stack_num * stack_num
    cids = cluster_ids[:, :trunc].reshape(bs, trunc // stack_num, stack_num)
    cids = jnp.transpose(cids, (2, 0, 1))  # [stack_num, bs, seqlen//stack_num]
    embs = []
    for idx in range(stack_num):
        emb = jnp.take(emb_table, cids[idx], axis=0)  # [bs, seqlen//stack, EMBEDDING_SIZE]
        embs.append(emb)
    embs = jnp.concatenate(embs, axis=-1)  # [bs, seqlen//stack, stack*EMBEDDING_SIZE]
    return embs

if __name__ == "__main__":
    import jax
    _d = setup_inputs()
    print(jax.jit(kernel)(*tuple(_d.values())))

</pallas_src>

<mosaic_0001>
#map = affine_map<(d0, d1) -> (0, 0)>
#map1 = affine_map<(d0, d1) -> (0)>
#map2 = affine_map<(d0, d1) -> (0, 0, 0)>
module attributes {stable_mosaic.version = 14 : i64} {
  func.func @gather_kernel(%arg0: i32, %arg1: i32, %arg2: memref<1000x256xf32, #tpu.memory_space<hbm>>, %arg3: memref<3072xi32, #tpu.memory_space<hbm>>, %arg4: memref<3072xi32, #tpu.memory_space<hbm>>, %arg5: memref<8x1024x512xf32, #tpu.memory_space<hbm>>, %arg6: memref<96xi32, #tpu.memory_space<vmem>>, %arg7: memref<96xi32, #tpu.memory_space<vmem>>, %arg8: memref<96x256xf32, #tpu.memory_space<vmem>>, %arg9: memref<96x256xf32, #tpu.memory_space<vmem>>, %arg10: memref<!tpu.dma_semaphore, #tpu.memory_space<semaphore_mem>>, %arg11: memref<!tpu.dma_semaphore, #tpu.memory_space<semaphore_mem>>, %arg12: memref<!tpu.dma_semaphore, #tpu.memory_space<semaphore_mem>>, %arg13: memref<!tpu.dma_semaphore, #tpu.memory_space<semaphore_mem>>) attributes {dimension_semantics = [#tpu.dimension_semantics<core_parallel>, #tpu.dimension_semantics<subcore_parallel>], iteration_bounds = array<i64: 2, 16>, scalar_prefetch = 0 : i64, scratch_operands = 8 : i64, tpu.core_type = #tpu.core_type<sc_vector_subcore>, window_params = [{transform_indices = #map}, {transform_indices = #map1}, {transform_indices = #map1}, {transform_indices = #map2}]} {
    %mul3A = arith.constant 2 : i32
    %mul3A_0 = arith.muli %arg1, %mul3A : i32
    %add3A = arith.addi %mul3A_0, %arg0 : i32
    %mul3A_1 = arith.constant 96 : i32
    %mul3A_2 = arith.muli %add3A, %mul3A_1 : i32
    "tpu.region"() ({
      %run_scoped3A = tpu.sem_alloc : memref<!tpu.dma_semaphore, #tpu.memory_space<semaphore_mem>>
      %dma_start3A_411 = tpu.memref_slice %arg3[%mul3A_2] : memref<3072xi32, #tpu.memory_space<hbm>> -> memref<96xi32, #tpu.memory_space<hbm>>
      %dma_start3A_412 = tpu.memref_slice %arg3[%mul3A_2] : memref<3072xi32, #tpu.memory_space<hbm>> -> memref<96xi32, #tpu.memory_space<hbm>>
      tpu.enqueue_dma source(%dma_start3A_412 : memref<96xi32, #tpu.memory_space<hbm>>) target(%arg6 : memref<96xi32, #tpu.memory_space<vmem>>) target_semaphore(%run_scoped3A : memref<!tpu.dma_semaphore, #tpu.memory_space<semaphore_mem>>)
      %dma_wait3A_413 = tpu.memref_slice %arg3[%mul3A_2] : memref<3072xi32, #tpu.memory_space<hbm>> -> memref<96xi32, #tpu.memory_space<hbm>>
      %dma_wait3A_414 = tpu.memref_slice %arg3[%mul3A_2] : memref<3072xi32, #tpu.memory_space<hbm>> -> memref<96xi32, #tpu.memory_space<hbm>>
      tpu.wait_dma2 semaphore(%run_scoped3A : memref<!tpu.dma_semaphore, #tpu.memory_space<semaphore_mem>>) src(%dma_wait3A_414 : memref<96xi32, #tpu.memory_space<hbm>>) dst(%arg6 : memref<96xi32, #tpu.memory_space<vmem>>)
      tpu.yield
    }) : () -> ()
    "tpu.region"() ({
      %run_scoped3A = tpu.sem_alloc : memref<!tpu.dma_semaphore, #tpu.memory_space<semaphore_mem>>
      %dma_start3A_411 = tpu.memref_slice %arg4[%mul3A_2] : memref<3072xi32, #tpu.memory_space<hbm>> -> memref<96xi32, #tpu.memory_space<hbm>>
      %dma_start3A_412 = tpu.memref_slice %arg4[%mul3A_2] : memref<3072xi32, #tpu.memory_space<hbm>> -> memref<96xi32, #tpu.memory_space<hbm>>
      tpu.enqueue_dma source(%dma_start3A_412 : memref<96xi32, #tpu.memory_space<hbm>>) target(%arg7 : memref<96xi32, #tpu.memory_space<vmem>>) target_semaphore(%run_scoped3A : memref<!tpu.dma_semaphore, #tpu.memory_space<semaphore_mem>>)
      %dma_wait3A_413 = tpu.memref_slice %arg4[%mul3A_2] : memref<3072xi32, #tpu.memory_space<hbm>> -> memref<96xi32, #tpu.memory_space<hbm>>
      %dma_wait3A_414 = tpu.memref_slice %arg4[%mul3A_2] : memref<3072xi32, #tpu.memory_space<hbm>> -> memref<96xi32, #tpu.memory_space<hbm>>
      tpu.wait_dma2 semaphore(%run_scoped3A : memref<!tpu.dma_semaphore, #tpu.memory_space<semaphore_mem>>) src(%dma_wait3A_414 : memref<96xi32, #tpu.memory_space<hbm>>) dst(%arg7 : memref<96xi32, #tpu.memory_space<vmem>>)
      tpu.yield
    }) : () -> ()
    %dma_start3A = arith.constant 0 : i32
    %dma_start3A_3 = arith.constant 0 : i32
    %dma_start3A_4 = tpu.memref_slice %arg2[%dma_start3A, %dma_start3A_3] : memref<1000x256xf32, #tpu.memory_space<hbm>> -> memref<1000x256xf32, #tpu.memory_space<hbm>>
    tpu.enqueue_indirect_dma source(%dma_start3A_4 : memref<1000x256xf32, #tpu.memory_space<hbm>>) target(%arg8 : memref<96x256xf32, #tpu.memory_space<vmem>>) offsets(%arg6 : memref<96xi32, #tpu.memory_space<vmem>>) semaphore(%arg10 : memref<!tpu.dma_semaphore, #tpu.memory_space<semaphore_mem>>)
    %dma_start3A_5 = arith.constant 0 : i32
    %dma_start3A_6 = arith.constant 0 : i32
    %dma_start3A_7 = tpu.memref_slice %arg2[%dma_start3A_5, %dma_start3A_6] : memref<1000x256xf32, #tpu.memory_space<hbm>> -> memref<1000x256xf32, #tpu.memory_space<hbm>>
    tpu.enqueue_indirect_dma source(%dma_start3A_7 : memref<1000x256xf32, #tpu.memory_space<hbm>>) target(%arg9 : memref<96x256xf32, #tpu.memory_space<vmem>>) offsets(%arg7 : memref<96xi32, #tpu.memory_space<vmem>>) semaphore(%arg11 : memref<!tpu.dma_semaphore, #tpu.memory_space<semaphore_mem>>)
    %dma_wait3A = arith.constant 0 : i32
    %dma_wait3A_8 = arith.constant 0 : i32
    %dma_wait3A_9 = tpu.memref_slice %arg2[%dma_wait3A, %dma_wait3A_8] : memref<1000x256xf32, #tpu.memory_space<hbm>> -> memref<1000x256xf32, #tpu.memory_space<hbm>>
    tpu.wait_indirect_dma semaphore(%arg10 : memref<!tpu.dma_semaphore, #tpu.memory_space<semaphore_mem>>) src(%dma_wait3A_9 : memref<1000x256xf32, #tpu.memory_space<hbm>>) dst(%arg8 : memref<96x256xf32, #tpu.memory_space<vmem>>)
    %add3A_10 = arith.constant 5120 : i32
    %add3A_11 = arith.addi %add3A_10, %mul3A_2 : i32
    %add3A_12 = arith.constant 0 : i32
    %add3A_13 = arith.addi %add3A_11, %add3A_12 : i32
    %jit3A = arith.constant 1024 : i32
    %div3A = arith.divsi %add3A_13, %jit3A : i32
    %sign3A = arith.constant 0 : i32
    %sign3A_14 = arith.cmpi sgt, %add3A_13, %sign3A : i32
    %sign3A_15 = arith.extui %sign3A_14 : i1 to i32
    %sign3A_16 = arith.constant 0 : i32
    %sign3A_17 = arith.cmpi slt, %add3A_13, %sign3A_16 : i32
    %sign3A_18 = arith.extui %sign3A_17 : i1 to i32
    %sign3A_19 = arith.subi %sign3A_15, %sign3A_18 : i32
    %sign3A_20 = arith.constant 0 : i32
    %sign3A_21 = arith.cmpi sgt, %jit3A, %sign3A_20 : i32
    %sign3A_22 = arith.extui %sign3A_21 : i1 to i32
    %sign3A_23 = arith.constant 0 : i32
    %sign3A_24 = arith.cmpi slt, %jit3A, %sign3A_23 : i32
    %sign3A_25 = arith.extui %sign3A_24 : i1 to i32
    %sign3A_26 = arith.subi %sign3A_22, %sign3A_25 : i32
    %ne3A = arith.cmpi ne, %sign3A_19, %sign3A_26 : i32
    %rem3A = arith.remsi %add3A_13, %jit3A : i32
    %ne3A_27 = arith.constant 0 : i32
    %ne3A_28 = arith.cmpi ne, %rem3A, %ne3A_27 : i32
    %and3A = arith.andi %ne3A, %ne3A_28 : i1
    %sub3A = arith.constant 1 : i32
    %sub3A_29 = arith.subi %div3A, %sub3A : i32
    %select_n3A = arith.select %and3A, %sub3A_29, %div3A : i32
    %jit3A_30 = arith.constant 1024 : i32
    %eq3A = arith.constant 0 : i32
    %eq3A_31 = arith.cmpi eq, %jit3A_30, %eq3A : i32
    %jit3A_32 = arith.constant 1 : i32
    %select_n3A_33 = arith.select %eq3A_31, %jit3A_32, %jit3A_30 : i32
    %rem3A_34 = arith.remsi %add3A_13, %select_n3A_33 : i32
    %ne3A_35 = arith.constant 0 : i32
    %ne3A_36 = arith.cmpi ne, %rem3A_34, %ne3A_35 : i32
    %lt3A = arith.constant 0 : i32
    %lt3A_37 = arith.cmpi slt, %rem3A_34, %lt3A : i32
    %lt3A_38 = arith.constant 0 : i32
    %lt3A_39 = arith.cmpi slt, %select_n3A_33, %lt3A_38 : i32
    %ne3A_40 = arith.xori %lt3A_37, %lt3A_39 : i1
    %and3A_41 = arith.andi %ne3A_40, %ne3A_36 : i1
    %add3A_42 = arith.addi %rem3A_34, %select_n3A_33 : i32
    %select_n3A_43 = arith.select %and3A_41, %add3A_42, %rem3A_34 : i32
    %dma_start3A_44 = arith.constant 0 : i32
    %dma_start3A_45 = arith.constant 0 : i32
    %dma_start3A_46 = tpu.memref_slice %arg8[%dma_start3A_44, %dma_start3A_45] : memref<96x256xf32, #tpu.memory_space<vmem>> -> memref<32x256xf32, #tpu.memory_space<vmem>>
    %dma_start3A_47 = arith.constant 0 : i32
    %dma_start3A_48 = tpu.memref_slice %arg5[%select_n3A, %select_n3A_43, %dma_start3A_47] : memref<8x1024x512xf32, #tpu.memory_space<hbm>> -> memref<1x32x256xf32, #tpu.memory_space<hbm>>
    %dma_start3A_49 = tpu.memref_squeeze %dma_start3A_48 : memref<1x32x256xf32, #tpu.memory_space<hbm>> -> memref<32x256xf32, #tpu.memory_space<hbm>>
    %dma_start3A_50 = arith.constant 0 : i32
    %dma_start3A_51 = tpu.memref_slice %arg5[%select_n3A, %select_n3A_43, %dma_start3A_50] : memref<8x1024x512xf32, #tpu.memory_space<hbm>> -> memref<1x32x256xf32, #tpu.memory_space<hbm>>
    %dma_start3A_52 = tpu.memref_squeeze %dma_start3A_51 : memref<1x32x256xf32, #tpu.memory_space<hbm>> -> memref<32x256xf32, #tpu.memory_space<hbm>>
    %dma_start3A_53 = arith.constant 0 : i32
    %dma_start3A_54 = arith.constant 0 : i32
    %dma_start3A_55 = tpu.memref_slice %arg8[%dma_start3A_53, %dma_start3A_54] : memref<96x256xf32, #tpu.memory_space<vmem>> -> memref<32x256xf32, #tpu.memory_space<vmem>>
    tpu.enqueue_dma source(%dma_start3A_55 : memref<32x256xf32, #tpu.memory_space<vmem>>) target(%dma_start3A_52 : memref<32x256xf32, #tpu.memory_space<hbm>>) target_semaphore(%arg12 : memref<!tpu.dma_semaphore, #tpu.memory_space<semaphore_mem>>)
    %add3A_56 = arith.constant 5120 : i32
    %add3A_57 = arith.addi %add3A_56, %mul3A_2 : i32
    %add3A_58 = arith.constant 32 : i32
    %add3A_59 = arith.addi %add3A_57, %add3A_58 : i32
    %jit3A_60 = arith.constant 1024 : i32
    %div3A_61 = arith.divsi %add3A_59, %jit3A_60 : i32
    %sign3A_62 = arith.constant 0 : i32
    %sign3A_63 = arith.cmpi sgt, %add3A_59, %sign3A_62 : i32
    %sign3A_64 = arith.extui %sign3A_63 : i1 to i32
    %sign3A_65 = arith.constant 0 : i32
    %sign3A_66 = arith.cmpi slt, %add3A_59, %sign3A_65 : i32
    %sign3A_67 = arith.extui %sign3A_66 : i1 to i32
    %sign3A_68 = arith.subi %sign3A_64, %sign3A_67 : i32
    %sign3A_69 = arith.constant 0 : i32
    %sign3A_70 = arith.cmpi sgt, %jit3A_60, %sign3A_69 : i32
    %sign3A_71 = arith.extui %sign3A_70 : i1 to i32
    %sign3A_72 = arith.constant 0 : i32
    %sign3A_73 = arith.cmpi slt, %jit3A_60, %sign3A_72 : i32
    %sign3A_74 = arith.extui %sign3A_73 : i1 to i32
    %sign3A_75 = arith.subi %sign3A_71, %sign3A_74 : i32
    %ne3A_76 = arith.cmpi ne, %sign3A_68, %sign3A_75 : i32
    %rem3A_77 = arith.remsi %add3A_59, %jit3A_60 : i32
    %ne3A_78 = arith.constant 0 : i32
    %ne3A_79 = arith.cmpi ne, %rem3A_77, %ne3A_78 : i32
    %and3A_80 = arith.andi %ne3A_76, %ne3A_79 : i1
    %sub3A_81 = arith.constant 1 : i32
    %sub3A_82 = arith.subi %div3A_61, %sub3A_81 : i32
    %select_n3A_83 = arith.select %and3A_80, %sub3A_82, %div3A_61 : i32
    %jit3A_84 = arith.constant 1024 : i32
    %eq3A_85 = arith.constant 0 : i32
    %eq3A_86 = arith.cmpi eq, %jit3A_84, %eq3A_85 : i32
    %jit3A_87 = arith.constant 1 : i32
    %select_n3A_88 = arith.select %eq3A_86, %jit3A_87, %jit3A_84 : i32
    %rem3A_89 = arith.remsi %add3A_59, %select_n3A_88 : i32
    %ne3A_90 = arith.constant 0 : i32
    %ne3A_91 = arith.cmpi ne, %rem3A_89, %ne3A_90 : i32
    %lt3A_92 = arith.constant 0 : i32
    %lt3A_93 = arith.cmpi slt, %rem3A_89, %lt3A_92 : i32
    %lt3A_94 = arith.constant 0 : i32
    %lt3A_95 = arith.cmpi slt, %select_n3A_88, %lt3A_94 : i32
    %ne3A_96 = arith.xori %lt3A_93, %lt3A_95 : i1
    %and3A_97 = arith.andi %ne3A_96, %ne3A_91 : i1
    %add3A_98 = arith.addi %rem3A_89, %select_n3A_88 : i32
    %select_n3A_99 = arith.select %and3A_97, %add3A_98, %rem3A_89 : i32
    %dma_start3A_100 = arith.constant 32 : i32
    %dma_start3A_101 = arith.constant 0 : i32
    %dma_start3A_102 = tpu.memref_slice %arg8[%dma_start3A_100, %dma_start3A_101] : memref<96x256xf32, #tpu.memory_space<vmem>> -> memref<32x256xf32, #tpu.memory_space<vmem>>
    %dma_start3A_103 = arith.constant 0 : i32
    %dma_start3A_104 = tpu.memref_slice %arg5[%select_n3A_83, %select_n3A_99, %dma_start3A_103] : memref<8x1024x512xf32, #tpu.memory_space<hbm>> -> memref<1x32x256xf32, #tpu.memory_space<hbm>>
    %dma_start3A_105 = tpu.memref_squeeze %dma_start3A_104 : memref<1x32x256xf32, #tpu.memory_space<hbm>> -> memref<32x256xf32, #tpu.memory_space<hbm>>
    %dma_start3A_106 = arith.constant 0 : i32
    %dma_start3A_107 = tpu.memref_slice %arg5[%select_n3A_83, %select_n3A_99, %dma_start3A_106] : memref<8x1024x512xf32, #tpu.memory_space<hbm>> -> memref<1x32x256xf32, #tpu.memory_space<hbm>>
    %dma_start3A_108 = tpu.memref_squeeze %dma_start3A_107 : memref<1x32x256xf32, #tpu.memory_space<hbm>> -> memref<32x256xf32, #tpu.memory_space<hbm>>
    %dma_start3A_109 = arith.constant 32 : i32
    %dma_start3A_110 = arith.constant 0 : i32
    %dma_start3A_111 = tpu.memref_slice %arg8[%dma_start3A_109, %dma_start3A_110] : memref<96x256xf32, #tpu.memory_space<vmem>> -> memref<32x256xf32, #tpu.memory_space<vmem>>
    tpu.enqueue_dma source(%dma_start3A_111 : memref<32x256xf32, #tpu.memory_space<vmem>>) target(%dma_start3A_108 : memref<32x256xf32, #tpu.memory_space<hbm>>) target_semaphore(%arg12 : memref<!tpu.dma_semaphore, #tpu.memory_space<semaphore_mem>>)
    %add3A_112 = arith.constant 5120 : i32
    %add3A_113 = arith.addi %add3A_112, %mul3A_2 : i32
    %add3A_114 = arith.constant 64 : i32
    %add3A_115 = arith.addi %add3A_113, %add3A_114 : i32
    %jit3A_116 = arith.constant 1024 : i32
    %div3A_117 = arith.divsi %add3A_115, %jit3A_116 : i32
    %sign3A_118 = arith.constant 0 : i32
    %sign3A_119 = arith.cmpi sgt, %add3A_115, %sign3A_118 : i32
    %sign3A_120 = arith.extui %sign3A_119 : i1 to i32
    %sign3A_121 = arith.constant 0 : i32
    %sign3A_122 = arith.cmpi slt, %add3A_115, %sign3A_121 : i32
    %sign3A_123 = arith.extui %sign3A_122 : i1 to i32
    %sign3A_124 = arith.subi %sign3A_120, %sign3A_123 : i32
    %sign3A_125 = arith.constant 0 : i32
    %sign3A_126 = arith.cmpi sgt, %jit3A_116, %sign3A_125 : i32
    %sign3A_127 = arith.extui %sign3A_126 : i1 to i32
    %sign3A_128 = arith.constant 0 : i32
    %sign3A_129 = arith.cmpi slt, %jit3A_116, %sign3A_128 : i32
    %sign3A_130 = arith.extui %sign3A_129 : i1 to i32
    %sign3A_131 = arith.subi %sign3A_127, %sign3A_130 : i32
    %ne3A_132 = arith.cmpi ne, %sign3A_124, %sign3A_131 : i32
    %rem3A_133 = arith.remsi %add3A_115, %jit3A_116 : i32
    %ne3A_134 = arith.constant 0 : i32
    %ne3A_135 = arith.cmpi ne, %rem3A_133, %ne3A_134 : i32
    %and3A_136 = arith.andi %ne3A_132, %ne3A_135 : i1
    %sub3A_137 = arith.constant 1 : i32
    %sub3A_138 = arith.subi %div3A_117, %sub3A_137 : i32
    %select_n3A_139 = arith.select %and3A_136, %sub3A_138, %div3A_117 : i32
    %jit3A_140 = arith.constant 1024 : i32
    %eq3A_141 = arith.constant 0 : i32
    %eq3A_142 = arith.cmpi eq, %jit3A_140, %eq3A_141 : i32
    %jit3A_143 = arith.constant 1 : i32
    %select_n3A_144 = arith.select %eq3A_142, %jit3A_143, %jit3A_140 : i32
    %rem3A_145 = arith.remsi %add3A_115, %select_n3A_144 : i32
    %ne3A_146 = arith.constant 0 : i32
    %ne3A_147 = arith.cmpi ne, %rem3A_145, %ne3A_146 : i32
    %lt3A_148 = arith.constant 0 : i32
    %lt3A_149 = arith.cmpi slt, %rem3A_145, %lt3A_148 : i32
    %lt3A_150 = arith.constant 0 : i32
    %lt3A_151 = arith.cmpi slt, %select_n3A_144, %lt3A_150 : i32
    %ne3A_152 = arith.xori %lt3A_149, %lt3A_151 : i1
    %and3A_153 = arith.andi %ne3A_152, %ne3A_147 : i1
    %add3A_154 = arith.addi %rem3A_145, %select_n3A_144 : i32
    %select_n3A_155 = arith.select %and3A_153, %add3A_154, %rem3A_145 : i32
    %dma_start3A_156 = arith.constant 64 : i32
    %dma_start3A_157 = arith.constant 0 : i32
    %dma_start3A_158 = tpu.memref_slice %arg8[%dma_start3A_156, %dma_start3A_157] : memref<96x256xf32, #tpu.memory_space<vmem>> -> memref<32x256xf32, #tpu.memory_space<vmem>>
    %dma_start3A_159 = arith.constant 0 : i32
    %dma_start3A_160 = tpu.memref_slice %arg5[%select_n3A_139, %select_n3A_155, %dma_start3A_159] : memref<8x1024x512xf32, #tpu.memory_space<hbm>> -> memref<1x32x256xf32, #tpu.memory_space<hbm>>
    %dma_start3A_161 = tpu.memref_squeeze %dma_start3A_160 : memref<1x32x256xf32, #tpu.memory_space<hbm>> -> memref<32x256xf32, #tpu.memory_space<hbm>>
    %dma_start3A_162 = arith.constant 0 : i32
    %dma_start3A_163 = tpu.memref_slice %arg5[%select_n3A_139, %select_n3A_155, %dma_start3A_162] : memref<8x1024x512xf32, #tpu.memory_space<hbm>> -> memref<1x32x256xf32, #tpu.memory_space<hbm>>
    %dma_start3A_164 = tpu.memref_squeeze %dma_start3A_163 : memref<1x32x256xf32, #tpu.memory_space<hbm>> -> memref<32x256xf32, #tpu.memory_space<hbm>>
    %dma_start3A_165 = arith.constant 64 : i32
    %dma_start3A_166 = arith.constant 0 : i32
    %dma_start3A_167 = tpu.memref_slice %arg8[%dma_start3A_165, %dma_start3A_166] : memref<96x256xf32, #tpu.memory_space<vmem>> -> memref<32x256xf32, #tpu.memory_space<vmem>>
    tpu.enqueue_dma source(%dma_start3A_167 : memref<32x256xf32, #tpu.memory_space<vmem>>) target(%dma_start3A_164 : memref<32x256xf32, #tpu.memory_space<hbm>>) target_semaphore(%arg12 : memref<!tpu.dma_semaphore, #tpu.memory_space<semaphore_mem>>)
    %dma_wait3A_168 = arith.constant 0 : i32
    %dma_wait3A_169 = arith.constant 0 : i32
    %dma_wait3A_170 = tpu.memref_slice %arg2[%dma_wait3A_168, %dma_wait3A_169] : memref<1000x256xf32, #tpu.memory_space<hbm>> -> memref<1000x256xf32, #tpu.memory_space<hbm>>
    tpu.wait_indirect_dma semaphore(%arg11 : memref<!tpu.dma_semaphore, #tpu.memory_space<semaphore_mem>>) src(%dma_wait3A_170 : memref<1000x256xf32, #tpu.memory_space<hbm>>) dst(%arg9 : memref<96x256xf32, #tpu.memory_space<vmem>>)
    %add3A_171 = arith.constant 5120 : i32
    %add3A_172 = arith.addi %add3A_171, %mul3A_2 : i32
    %add3A_173 = arith.constant 0 : i32
    %add3A_174 = arith.addi %add3A_172, %add3A_173 : i32
    %jit3A_175 = arith.constant 1024 : i32
    %div3A_176 = arith.divsi %add3A_174, %jit3A_175 : i32
    %sign3A_177 = arith.constant 0 : i32
    %sign3A_178 = arith.cmpi sgt, %add3A_174, %sign3A_177 : i32
    %sign3A_179 = arith.extui %sign3A_178 : i1 to i32
    %sign3A_180 = arith.constant 0 : i32
    %sign3A_181 = arith.cmpi slt, %add3A_174, %sign3A_180 : i32
    %sign3A_182 = arith.extui %sign3A_181 : i1 to i32
    %sign3A_183 = arith.subi %sign3A_179, %sign3A_182 : i32
    %sign3A_184 = arith.constant 0 : i32
    %sign3A_185 = arith.cmpi sgt, %jit3A_175, %sign3A_184 : i32
    %sign3A_186 = arith.extui %sign3A_185 : i1 to i32
    %sign3A_187 = arith.constant 0 : i32
    %sign3A_188 = arith.cmpi slt, %jit3A_175, %sign3A_187 : i32
    %sign3A_189 = arith.extui %sign3A_188 : i1 to i32
    %sign3A_190 = arith.subi %sign3A_186, %sign3A_189 : i32
    %ne3A_191 = arith.cmpi ne, %sign3A_183, %sign3A_190 : i32
    %rem3A_192 = arith.remsi %add3A_174, %jit3A_175 : i32
    %ne3A_193 = arith.constant 0 : i32
    %ne3A_194 = arith.cmpi ne, %rem3A_192, %ne3A_193 : i32
    %and3A_195 = arith.andi %ne3A_191, %ne3A_194 : i1
    %sub3A_196 = arith.constant 1 : i32
    %sub3A_197 = arith.subi %div3A_176, %sub3A_196 : i32
    %select_n3A_198 = arith.select %and3A_195, %sub3A_197, %div3A_176 : i32
    %jit3A_199 = arith.constant 1024 : i32
    %eq3A_200 = arith.constant 0 : i32
    %eq3A_201 = arith.cmpi eq, %jit3A_199, %eq3A_200 : i32
    %jit3A_202 = arith.constant 1 : i32
    %select_n3A_203 = arith.select %eq3A_201, %jit3A_202, %jit3A_199 : i32
    %rem3A_204 = arith.remsi %add3A_174, %select_n3A_203 : i32
    %ne3A_205 = arith.constant 0 : i32
    %ne3A_206 = arith.cmpi ne, %rem3A_204, %ne3A_205 : i32
    %lt3A_207 = arith.constant 0 : i32
    %lt3A_208 = arith.cmpi slt, %rem3A_204, %lt3A_207 : i32
    %lt3A_209 = arith.constant 0 : i32
    %lt3A_210 = arith.cmpi slt, %select_n3A_203, %lt3A_209 : i32
    %ne3A_211 = arith.xori %lt3A_208, %lt3A_210 : i1
    %and3A_212 = arith.andi %ne3A_211, %ne3A_206 : i1
    %add3A_213 = arith.addi %rem3A_204, %select_n3A_203 : i32
    %select_n3A_214 = arith.select %and3A_212, %add3A_213, %rem3A_204 : i32
    %dma_start3A_215 = arith.constant 0 : i32
    %dma_start3A_216 = arith.constant 0 : i32
    %dma_start3A_217 = tpu.memref_slice %arg9[%dma_start3A_215, %dma_start3A_216] : memref<96x256xf32, #tpu.memory_space<vmem>> -> memref<32x256xf32, #tpu.memory_space<vmem>>
    %dma_start3A_218 = arith.constant 256 : i32
    %dma_start3A_219 = tpu.memref_slice %arg5[%select_n3A_198, %select_n3A_214, %dma_start3A_218] : memref<8x1024x512xf32, #tpu.memory_space<hbm>> -> memref<1x32x256xf32, #tpu.memory_space<hbm>>
    %dma_start3A_220 = tpu.memref_squeeze %dma_start3A_219 : memref<1x32x256xf32, #tpu.memory_space<hbm>> -> memref<32x256xf32, #tpu.memory_space<hbm>>
    %dma_start3A_221 = arith.constant 256 : i32
    %dma_start3A_222 = tpu.memref_slice %arg5[%select_n3A_198, %select_n3A_214, %dma_start3A_221] : memref<8x1024x512xf32, #tpu.memory_space<hbm>> -> memref<1x32x256xf32, #tpu.memory_space<hbm>>
    %dma_start3A_223 = tpu.memref_squeeze %dma_start3A_222 : memref<1x32x256xf32, #tpu.memory_space<hbm>> -> memref<32x256xf32, #tpu.memory_space<hbm>>
    %dma_start3A_224 = arith.constant 0 : i32
    %dma_start3A_225 = arith.constant 0 : i32
    %dma_start3A_226 = tpu.memref_slice %arg9[%dma_start3A_224, %dma_start3A_225] : memref<96x256xf32, #tpu.memory_space<vmem>> -> memref<32x256xf32, #tpu.memory_space<vmem>>
    tpu.enqueue_dma source(%dma_start3A_226 : memref<32x256xf32, #tpu.memory_space<vmem>>) target(%dma_start3A_223 : memref<32x256xf32, #tpu.memory_space<hbm>>) target_semaphore(%arg13 : memref<!tpu.dma_semaphore, #tpu.memory_space<semaphore_mem>>)
    %add3A_227 = arith.constant 5120 : i32
    %add3A_228 = arith.addi %add3A_227, %mul3A_2 : i32
    %add3A_229 = arith.constant 32 : i32
    %add3A_230 = arith.addi %add3A_228, %add3A_229 : i32
    %jit3A_231 = arith.constant 1024 : i32
    %div3A_232 = arith.divsi %add3A_230, %jit3A_231 : i32
    %sign3A_233 = arith.constant 0 : i32
    %sign3A_234 = arith.cmpi sgt, %add3A_230, %sign3A_233 : i32
    %sign3A_235 = arith.extui %sign3A_234 : i1 to i32
    %sign3A_236 = arith.constant 0 : i32
    %sign3A_237 = arith.cmpi slt, %add3A_230, %sign3A_236 : i32
    %sign3A_238 = arith.extui %sign3A_237 : i1 to i32
    %sign3A_239 = arith.subi %sign3A_235, %sign3A_238 : i32
    %sign3A_240 = arith.constant 0 : i32
    %sign3A_241 = arith.cmpi sgt, %jit3A_231, %sign3A_240 : i32
    %sign3A_242 = arith.extui %sign3A_241 : i1 to i32
    %sign3A_243 = arith.constant 0 : i32
    %sign3A_244 = arith.cmpi slt, %jit3A_231, %sign3A_243 : i32
    %sign3A_245 = arith.extui %sign3A_244 : i1 to i32
    %sign3A_246 = arith.subi %sign3A_242, %sign3A_245 : i32
    %ne3A_247 = arith.cmpi ne, %sign3A_239, %sign3A_246 : i32
    %rem3A_248 = arith.remsi %add3A_230, %jit3A_231 : i32
    %ne3A_249 = arith.constant 0 : i32
    %ne3A_250 = arith.cmpi ne, %rem3A_248, %ne3A_249 : i32
    %and3A_251 = arith.andi %ne3A_247, %ne3A_250 : i1
    %sub3A_252 = arith.constant 1 : i32
    %sub3A_253 = arith.subi %div3A_232, %sub3A_252 : i32
    %select_n3A_254 = arith.select %and3A_251, %sub3A_253, %div3A_232 : i32
    %jit3A_255 = arith.constant 1024 : i32
    %eq3A_256 = arith.constant 0 : i32
    %eq3A_257 = arith.cmpi eq, %jit3A_255, %eq3A_256 : i32
    %jit3A_258 = arith.constant 1 : i32
    %select_n3A_259 = arith.select %eq3A_257, %jit3A_258, %jit3A_255 : i32
    %rem3A_260 = arith.remsi %add3A_230, %select_n3A_259 : i32
    %ne3A_261 = arith.constant 0 : i32
    %ne3A_262 = arith.cmpi ne, %rem3A_260, %ne3A_261 : i32
    %lt3A_263 = arith.constant 0 : i32
    %lt3A_264 = arith.cmpi slt, %rem3A_260, %lt3A_263 : i32
    %lt3A_265 = arith.constant 0 : i32
    %lt3A_266 = arith.cmpi slt, %select_n3A_259, %lt3A_265 : i32
    %ne3A_267 = arith.xori %lt3A_264, %lt3A_266 : i1
    %and3A_268 = arith.andi %ne3A_267, %ne3A_262 : i1
    %add3A_269 = arith.addi %rem3A_260, %select_n3A_259 : i32
    %select_n3A_270 = arith.select %and3A_268, %add3A_269, %rem3A_260 : i32
    %dma_start3A_271 = arith.constant 32 : i32
    %dma_start3A_272 = arith.constant 0 : i32
    %dma_start3A_273 = tpu.memref_slice %arg9[%dma_start3A_271, %dma_start3A_272] : memref<96x256xf32, #tpu.memory_space<vmem>> -> memref<32x256xf32, #tpu.memory_space<vmem>>
    %dma_start3A_274 = arith.constant 256 : i32
    %dma_start3A_275 = tpu.memref_slice %arg5[%select_n3A_254, %select_n3A_270, %dma_start3A_274] : memref<8x1024x512xf32, #tpu.memory_space<hbm>> -> memref<1x32x256xf32, #tpu.memory_space<hbm>>
    %dma_start3A_276 = tpu.memref_squeeze %dma_start3A_275 : memref<1x32x256xf32, #tpu.memory_space<hbm>> -> memref<32x256xf32, #tpu.memory_space<hbm>>
    %dma_start3A_277 = arith.constant 256 : i32
    %dma_start3A_278 = tpu.memref_slice %arg5[%select_n3A_254, %select_n3A_270, %dma_start3A_277] : memref<8x1024x512xf32, #tpu.memory_space<hbm>> -> memref<1x32x256xf32, #tpu.memory_space<hbm>>
    %dma_start3A_279 = tpu.memref_squeeze %dma_start3A_278 : memref<1x32x256xf32, #tpu.memory_space<hbm>> -> memref<32x256xf32, #tpu.memory_space<hbm>>
    %dma_start3A_280 = arith.constant 32 : i32
    %dma_start3A_281 = arith.constant 0 : i32
    %dma_start3A_282 = tpu.memref_slice %arg9[%dma_start3A_280, %dma_start3A_281] : memref<96x256xf32, #tpu.memory_space<vmem>> -> memref<32x256xf32, #tpu.memory_space<vmem>>
    tpu.enqueue_dma source(%dma_start3A_282 : memref<32x256xf32, #tpu.memory_space<vmem>>) target(%dma_start3A_279 : memref<32x256xf32, #tpu.memory_space<hbm>>) target_semaphore(%arg13 : memref<!tpu.dma_semaphore, #tpu.memory_space<semaphore_mem>>)
    %add3A_283 = arith.constant 5120 : i32
    %add3A_284 = arith.addi %add3A_283, %mul3A_2 : i32
    %add3A_285 = arith.constant 64 : i32
    %add3A_286 = arith.addi %add3A_284, %add3A_285 : i32
    %jit3A_287 = arith.constant 1024 : i32
    %div3A_288 = arith.divsi %add3A_286, %jit3A_287 : i32
    %sign3A_289 = arith.constant 0 : i32
    %sign3A_290 = arith.cmpi sgt, %add3A_286, %sign3A_289 : i32
    %sign3A_291 = arith.extui %sign3A_290 : i1 to i32
    %sign3A_292 = arith.constant 0 : i32
    %sign3A_293 = arith.cmpi slt, %add3A_286, %sign3A_292 : i32
    %sign3A_294 = arith.extui %sign3A_293 : i1 to i32
    %sign3A_295 = arith.subi %sign3A_291, %sign3A_294 : i32
    %sign3A_296 = arith.constant 0 : i32
    %sign3A_297 = arith.cmpi sgt, %jit3A_287, %sign3A_296 : i32
    %sign3A_298 = arith.extui %sign3A_297 : i1 to i32
    %sign3A_299 = arith.constant 0 : i32
    %sign3A_300 = arith.cmpi slt, %jit3A_287, %sign3A_299 : i32
    %sign3A_301 = arith.extui %sign3A_300 : i1 to i32
    %sign3A_302 = arith.subi %sign3A_298, %sign3A_301 : i32
    %ne3A_303 = arith.cmpi ne, %sign3A_295, %sign3A_302 : i32
    %rem3A_304 = arith.remsi %add3A_286, %jit3A_287 : i32
    %ne3A_305 = arith.constant 0 : i32
    %ne3A_306 = arith.cmpi ne, %rem3A_304, %ne3A_305 : i32
    %and3A_307 = arith.andi %ne3A_303, %ne3A_306 : i1
    %sub3A_308 = arith.constant 1 : i32
    %sub3A_309 = arith.subi %div3A_288, %sub3A_308 : i32
    %select_n3A_310 = arith.select %and3A_307, %sub3A_309, %div3A_288 : i32
    %jit3A_311 = arith.constant 1024 : i32
    %eq3A_312 = arith.constant 0 : i32
    %eq3A_313 = arith.cmpi eq, %jit3A_311, %eq3A_312 : i32
    %jit3A_314 = arith.constant 1 : i32
    %select_n3A_315 = arith.select %eq3A_313, %jit3A_314, %jit3A_311 : i32
    %rem3A_316 = arith.remsi %add3A_286, %select_n3A_315 : i32
    %ne3A_317 = arith.constant 0 : i32
    %ne3A_318 = arith.cmpi ne, %rem3A_316, %ne3A_317 : i32
    %lt3A_319 = arith.constant 0 : i32
    %lt3A_320 = arith.cmpi slt, %rem3A_316, %lt3A_319 : i32
    %lt3A_321 = arith.constant 0 : i32
    %lt3A_322 = arith.cmpi slt, %select_n3A_315, %lt3A_321 : i32
    %ne3A_323 = arith.xori %lt3A_320, %lt3A_322 : i1
    %and3A_324 = arith.andi %ne3A_323, %ne3A_318 : i1
    %add3A_325 = arith.addi %rem3A_316, %select_n3A_315 : i32
    %select_n3A_326 = arith.select %and3A_324, %add3A_325, %rem3A_316 : i32
    %dma_start3A_327 = arith.constant 64 : i32
    %dma_start3A_328 = arith.constant 0 : i32
    %dma_start3A_329 = tpu.memref_slice %arg9[%dma_start3A_327, %dma_start3A_328] : memref<96x256xf32, #tpu.memory_space<vmem>> -> memref<32x256xf32, #tpu.memory_space<vmem>>
    %dma_start3A_330 = arith.constant 256 : i32
    %dma_start3A_331 = tpu.memref_slice %arg5[%select_n3A_310, %select_n3A_326, %dma_start3A_330] : memref<8x1024x512xf32, #tpu.memory_space<hbm>> -> memref<1x32x256xf32, #tpu.memory_space<hbm>>
    %dma_start3A_332 = tpu.memref_squeeze %dma_start3A_331 : memref<1x32x256xf32, #tpu.memory_space<hbm>> -> memref<32x256xf32, #tpu.memory_space<hbm>>
    %dma_start3A_333 = arith.constant 256 : i32
    %dma_start3A_334 = tpu.memref_slice %arg5[%select_n3A_310, %select_n3A_326, %dma_start3A_333] : memref<8x1024x512xf32, #tpu.memory_space<hbm>> -> memref<1x32x256xf32, #tpu.memory_space<hbm>>
    %dma_start3A_335 = tpu.memref_squeeze %dma_start3A_334 : memref<1x32x256xf32, #tpu.memory_space<hbm>> -> memref<32x256xf32, #tpu.memory_space<hbm>>
    %dma_start3A_336 = arith.constant 64 : i32
    %dma_start3A_337 = arith.constant 0 : i32
    %dma_start3A_338 = tpu.memref_slice %arg9[%dma_start3A_336, %dma_start3A_337] : memref<96x256xf32, #tpu.memory_space<vmem>> -> memref<32x256xf32, #tpu.memory_space<vmem>>
    tpu.enqueue_dma source(%dma_start3A_338 : memref<32x256xf32, #tpu.memory_space<vmem>>) target(%dma_start3A_335 : memref<32x256xf32, #tpu.memory_space<hbm>>) target_semaphore(%arg13 : memref<!tpu.dma_semaphore, #tpu.memory_space<semaphore_mem>>)
    %dma_wait3A_339 = arith.constant 0 : i32
    %dma_wait3A_340 = arith.constant 0 : i32
    %dma_wait3A_341 = tpu.memref_slice %arg8[%dma_wait3A_339, %dma_wait3A_340] : memref<96x256xf32, #tpu.memory_space<vmem>> -> memref<32x256xf32, #tpu.memory_space<vmem>>
    %dma_wait3A_342 = arith.constant 0 : i32
    %dma_wait3A_343 = tpu.memref_slice %arg5[%select_n3A, %select_n3A_43, %dma_wait3A_342] : memref<8x1024x512xf32, #tpu.memory_space<hbm>> -> memref<1x32x256xf32, #tpu.memory_space<hbm>>
    %dma_wait3A_344 = tpu.memref_squeeze %dma_wait3A_343 : memref<1x32x256xf32, #tpu.memory_space<hbm>> -> memref<32x256xf32, #tpu.memory_space<hbm>>
    %dma_wait3A_345 = arith.constant 0 : i32
    %dma_wait3A_346 = tpu.memref_slice %arg5[%select_n3A, %select_n3A_43, %dma_wait3A_345] : memref<8x1024x512xf32, #tpu.memory_space<hbm>> -> memref<1x32x256xf32, #tpu.memory_space<hbm>>
    %dma_wait3A_347 = tpu.memref_squeeze %dma_wait3A_346 : memref<1x32x256xf32, #tpu.memory_space<hbm>> -> memref<32x256xf32, #tpu.memory_space<hbm>>
    %dma_wait3A_348 = arith.constant 0 : i32
    %dma_wait3A_349 = arith.constant 0 : i32
    %dma_wait3A_350 = tpu.memref_slice %arg8[%dma_wait3A_348, %dma_wait3A_349] : memref<96x256xf32, #tpu.memory_space<vmem>> -> memref<32x256xf32, #tpu.memory_space<vmem>>
    tpu.wait_dma2 semaphore(%arg12 : memref<!tpu.dma_semaphore, #tpu.memory_space<semaphore_mem>>) src(%dma_wait3A_350 : memref<32x256xf32, #tpu.memory_space<vmem>>) dst(%dma_wait3A_347 : memref<32x256xf32, #tpu.memory_space<hbm>>)
    %dma_wait3A_351 = arith.constant 32 : i32
    %dma_wait3A_352 = arith.constant 0 : i32
    %dma_wait3A_353 = tpu.memref_slice %arg8[%dma_wait3A_351, %dma_wait3A_352] : memref<96x256xf32, #tpu.memory_space<vmem>> -> memref<32x256xf32, #tpu.memory_space<vmem>>
    %dma_wait3A_354 = arith.constant 0 : i32
    %dma_wait3A_355 = tpu.memref_slice %arg5[%select_n3A_83, %select_n3A_99, %dma_wait3A_354] : memref<8x1024x512xf32, #tpu.memory_space<hbm>> -> memref<1x32x256xf32, #tpu.memory_space<hbm>>
    %dma_wait3A_356 = tpu.memref_squeeze %dma_wait3A_355 : memref<1x32x256xf32, #tpu.memory_space<hbm>> -> memref<32x256xf32, #tpu.memory_space<hbm>>
    %dma_wait3A_357 = arith.constant 0 : i32
    %dma_wait3A_358 = tpu.memref_slice %arg5[%select_n3A_83, %select_n3A_99, %dma_wait3A_357] : memref<8x1024x512xf32, #tpu.memory_space<hbm>> -> memref<1x32x256xf32, #tpu.memory_space<hbm>>
    %dma_wait3A_359 = tpu.memref_squeeze %dma_wait3A_358 : memref<1x32x256xf32, #tpu.memory_space<hbm>> -> memref<32x256xf32, #tpu.memory_space<hbm>>
    %dma_wait3A_360 = arith.constant 32 : i32
    %dma_wait3A_361 = arith.constant 0 : i32
    %dma_wait3A_362 = tpu.memref_slice %arg8[%dma_wait3A_360, %dma_wait3A_361] : memref<96x256xf32, #tpu.memory_space<vmem>> -> memref<32x256xf32, #tpu.memory_space<vmem>>
    tpu.wait_dma2 semaphore(%arg12 : memref<!tpu.dma_semaphore, #tpu.memory_space<semaphore_mem>>) src(%dma_wait3A_362 : memref<32x256xf32, #tpu.memory_space<vmem>>) dst(%dma_wait3A_359 : memref<32x256xf32, #tpu.memory_space<hbm>>)
    %dma_wait3A_363 = arith.constant 64 : i32
    %dma_wait3A_364 = arith.constant 0 : i32
    %dma_wait3A_365 = tpu.memref_slice %arg8[%dma_wait3A_363, %dma_wait3A_364] : memref<96x256xf32, #tpu.memory_space<vmem>> -> memref<32x256xf32, #tpu.memory_space<vmem>>
    %dma_wait3A_366 = arith.constant 0 : i32
    %dma_wait3A_367 = tpu.memref_slice %arg5[%select_n3A_139, %select_n3A_155, %dma_wait3A_366] : memref<8x1024x512xf32, #tpu.memory_space<hbm>> -> memref<1x32x256xf32, #tpu.memory_space<hbm>>
    %dma_wait3A_368 = tpu.memref_squeeze %dma_wait3A_367 : memref<1x32x256xf32, #tpu.memory_space<hbm>> -> memref<32x256xf32, #tpu.memory_space<hbm>>
    %dma_wait3A_369 = arith.constant 0 : i32
    %dma_wait3A_370 = tpu.memref_slice %arg5[%select_n3A_139, %select_n3A_155, %dma_wait3A_369] : memref<8x1024x512xf32, #tpu.memory_space<hbm>> -> memref<1x32x256xf32, #tpu.memory_space<hbm>>
    %dma_wait3A_371 = tpu.memref_squeeze %dma_wait3A_370 : memref<1x32x256xf32, #tpu.memory_space<hbm>> -> memref<32x256xf32, #tpu.memory_space<hbm>>
    %dma_wait3A_372 = arith.constant 64 : i32
    %dma_wait3A_373 = arith.constant 0 : i32
    %dma_wait3A_374 = tpu.memref_slice %arg8[%dma_wait3A_372, %dma_wait3A_373] : memref<96x256xf32, #tpu.memory_space<vmem>> -> memref<32x256xf32, #tpu.memory_space<vmem>>
    tpu.wait_dma2 semaphore(%arg12 : memref<!tpu.dma_semaphore, #tpu.memory_space<semaphore_mem>>) src(%dma_wait3A_374 : memref<32x256xf32, #tpu.memory_space<vmem>>) dst(%dma_wait3A_371 : memref<32x256xf32, #tpu.memory_space<hbm>>)
    %dma_wait3A_375 = arith.constant 0 : i32
    %dma_wait3A_376 = arith.constant 0 : i32
    %dma_wait3A_377 = tpu.memref_slice %arg9[%dma_wait3A_375, %dma_wait3A_376] : memref<96x256xf32, #tpu.memory_space<vmem>> -> memref<32x256xf32, #tpu.memory_space<vmem>>
    %dma_wait3A_378 = arith.constant 256 : i32
    %dma_wait3A_379 = tpu.memref_slice %arg5[%select_n3A_198, %select_n3A_214, %dma_wait3A_378] : memref<8x1024x512xf32, #tpu.memory_space<hbm>> -> memref<1x32x256xf32, #tpu.memory_space<hbm>>
    %dma_wait3A_380 = tpu.memref_squeeze %dma_wait3A_379 : memref<1x32x256xf32, #tpu.memory_space<hbm>> -> memref<32x256xf32, #tpu.memory_space<hbm>>
    %dma_wait3A_381 = arith.constant 256 : i32
    %dma_wait3A_382 = tpu.memref_slice %arg5[%select_n3A_198, %select_n3A_214, %dma_wait3A_381] : memref<8x1024x512xf32, #tpu.memory_space<hbm>> -> memref<1x32x256xf32, #tpu.memory_space<hbm>>
    %dma_wait3A_383 = tpu.memref_squeeze %dma_wait3A_382 : memref<1x32x256xf32, #tpu.memory_space<hbm>> -> memref<32x256xf32, #tpu.memory_space<hbm>>
    %dma_wait3A_384 = arith.constant 0 : i32
    %dma_wait3A_385 = arith.constant 0 : i32
    %dma_wait3A_386 = tpu.memref_slice %arg9[%dma_wait3A_384, %dma_wait3A_385] : memref<96x256xf32, #tpu.memory_space<vmem>> -> memref<32x256xf32, #tpu.memory_space<vmem>>
    tpu.wait_dma2 semaphore(%arg13 : memref<!tpu.dma_semaphore, #tpu.memory_space<semaphore_mem>>) src(%dma_wait3A_386 : memref<32x256xf32, #tpu.memory_space<vmem>>) dst(%dma_wait3A_383 : memref<32x256xf32, #tpu.memory_space<hbm>>)
    %dma_wait3A_387 = arith.constant 32 : i32
    %dma_wait3A_388 = arith.constant 0 : i32
    %dma_wait3A_389 = tpu.memref_slice %arg9[%dma_wait3A_387, %dma_wait3A_388] : memref<96x256xf32, #tpu.memory_space<vmem>> -> memref<32x256xf32, #tpu.memory_space<vmem>>
    %dma_wait3A_390 = arith.constant 256 : i32
    %dma_wait3A_391 = tpu.memref_slice %arg5[%select_n3A_254, %select_n3A_270, %dma_wait3A_390] : memref<8x1024x512xf32, #tpu.memory_space<hbm>> -> memref<1x32x256xf32, #tpu.memory_space<hbm>>
    %dma_wait3A_392 = tpu.memref_squeeze %dma_wait3A_391 : memref<1x32x256xf32, #tpu.memory_space<hbm>> -> memref<32x256xf32, #tpu.memory_space<hbm>>
    %dma_wait3A_393 = arith.constant 256 : i32
    %dma_wait3A_394 = tpu.memref_slice %arg5[%select_n3A_254, %select_n3A_270, %dma_wait3A_393] : memref<8x1024x512xf32, #tpu.memory_space<hbm>> -> memref<1x32x256xf32, #tpu.memory_space<hbm>>
    %dma_wait3A_395 = tpu.memref_squeeze %dma_wait3A_394 : memref<1x32x256xf32, #tpu.memory_space<hbm>> -> memref<32x256xf32, #tpu.memory_space<hbm>>
    %dma_wait3A_396 = arith.constant 32 : i32
    %dma_wait3A_397 = arith.constant 0 : i32
    %dma_wait3A_398 = tpu.memref_slice %arg9[%dma_wait3A_396, %dma_wait3A_397] : memref<96x256xf32, #tpu.memory_space<vmem>> -> memref<32x256xf32, #tpu.memory_space<vmem>>
    tpu.wait_dma2 semaphore(%arg13 : memref<!tpu.dma_semaphore, #tpu.memory_space<semaphore_mem>>) src(%dma_wait3A_398 : memref<32x256xf32, #tpu.memory_space<vmem>>) dst(%dma_wait3A_395 : memref<32x256xf32, #tpu.memory_space<hbm>>)
    %dma_wait3A_399 = arith.constant 64 : i32
    %dma_wait3A_400 = arith.constant 0 : i32
    %dma_wait3A_401 = tpu.memref_slice %arg9[%dma_wait3A_399, %dma_wait3A_400] : memref<96x256xf32, #tpu.memory_space<vmem>> -> memref<32x256xf32, #tpu.memory_space<vmem>>
    %dma_wait3A_402 = arith.constant 256 : i32
    %dma_wait3A_403 = tpu.memref_slice %arg5[%select_n3A_310, %select_n3A_326, %dma_wait3A_402] : memref<8x1024x512xf32, #tpu.memory_space<hbm>> -> memref<1x32x256xf32, #tpu.memory_space<hbm>>
    %dma_wait3A_404 = tpu.memref_squeeze %dma_wait3A_403 : memref<1x32x256xf32, #tpu.memory_space<hbm>> -> memref<32x256xf32, #tpu.memory_space<hbm>>
    %dma_wait3A_405 = arith.constant 256 : i32
    %dma_wait3A_406 = tpu.memref_slice %arg5[%select_n3A_310, %select_n3A_326, %dma_wait3A_405] : memref<8x1024x512xf32, #tpu.memory_space<hbm>> -> memref<1x32x256xf32, #tpu.memory_space<hbm>>
    %dma_wait3A_407 = tpu.memref_squeeze %dma_wait3A_406 : memref<1x32x256xf32, #tpu.memory_space<hbm>> -> memref<32x256xf32, #tpu.memory_space<hbm>>
    %dma_wait3A_408 = arith.constant 64 : i32
    %dma_wait3A_409 = arith.constant 0 : i32
    %dma_wait3A_410 = tpu.memref_slice %arg9[%dma_wait3A_408, %dma_wait3A_409] : memref<96x256xf32, #tpu.memory_space<vmem>> -> memref<32x256xf32, #tpu.memory_space<vmem>>
    tpu.wait_dma2 semaphore(%arg13 : memref<!tpu.dma_semaphore, #tpu.memory_space<semaphore_mem>>) src(%dma_wait3A_410 : memref<32x256xf32, #tpu.memory_space<vmem>>) dst(%dma_wait3A_407 : memref<32x256xf32, #tpu.memory_space<hbm>>)
    return
  }
}

module attributes {stable_mosaic.version = 14 : i64} {
  func.func @_argmin_flat_body(%arg0: i32, %arg1: memref<512x256xf32, #tpu.memory_space<vmem>>, %arg2: memref<256x1024xf32, #tpu.memory_space<vmem>>, %arg3: memref<1x1024xf32, #tpu.memory_space<vmem>>, %arg4: memref<256xi32, #tpu.memory_space<vmem>>, %arg5: memref<256xi32, #tpu.memory_space<vmem>>) attributes {dimension_semantics = [#tpu.dimension_semantics<arbitrary>], iteration_bounds = array<i64: 12>, scalar_prefetch = 0 : i64, scratch_operands = 0 : i64, tpu.core_type = #tpu.core_type<tc>, window_params = [{transform_indices = @transform_0, window_bounds = array<i64: 512, 256>}, {pipeline_mode = #tpu.pipeline_mode<synchronous>, transform_indices = @transform_1, window_bounds = array<i64: 256, 1024>}, {pipeline_mode = #tpu.pipeline_mode<synchronous>, transform_indices = @transform_2, window_bounds = array<i64: 1, 1024>}, {transform_indices = @transform_3, window_bounds = array<i64: 256>}, {transform_indices = @transform_4, window_bounds = array<i64: 256>}]} {
    %get3A = arith.constant 0 : index
    %get3A_0 = arith.constant 0 : index
    %get3A_1 = vector.load %arg1[%get3A, %get3A_0] : memref<512x256xf32, #tpu.memory_space<vmem>>, vector<512x256xf32>
    %get3A_2 = arith.constant 0 : index
    %get3A_3 = arith.constant 0 : index
    %get3A_4 = vector.load %arg2[%get3A_2, %get3A_3] : memref<256x1024xf32, #tpu.memory_space<vmem>>, vector<256x1024xf32>
    %dot_general3A = arith.constant dense<0.000000e+00> : vector<512x1024xf32>
    %dot_general3A_5 = tpu.matmul %get3A_1, %get3A_4, %dot_general3A {dimension_numbers = #tpu.dot_dimension_numbers<[1], [0], [0], [1], [0, 0, 1, 1], [], []>, transpose_lhs_hint = false} : vector<512x256xf32>, vector<256x1024xf32>, vector<512x1024xf32> -> vector<512x1024xf32>
    %mul3A = arith.mulf %get3A_1, %get3A_1 : vector<512x256xf32>
    %reduce_sum3A = arith.constant dense<0.000000e+00> : vector<512xf32>
    %reduce_sum3A_6 = vector.multi_reduction <add>, %mul3A, %reduce_sum3A [1] : vector<512x256xf32> to vector<512xf32>
    %broadcast_in_dim3A = vector.shape_cast %reduce_sum3A_6 : vector<512xf32> to vector<512x1xf32>
    %mul3A_7 = arith.constant 2.000000e+00 : f32
    %mul3A_8 = vector.broadcast %mul3A_7 : f32 to vector<512x1024xf32>
    %mul3A_9 = arith.mulf %mul3A_8, %dot_general3A_5 : vector<512x1024xf32>
    %sub3A = vector.broadcast %broadcast_in_dim3A : vector<512x1xf32> to vector<512x1024xf32>
    %sub3A_10 = arith.subf %sub3A, %mul3A_9 : vector<512x1024xf32>
    %get3A_11 = arith.constant 0 : index
    %get3A_12 = arith.constant 0 : index
    %get3A_13 = vector.load %arg3[%get3A_11, %get3A_12] : memref<1x1024xf32, #tpu.memory_space<vmem>>, vector<1x1024xf32>
    %add3A = vector.broadcast %get3A_13 : vector<1x1024xf32> to vector<512x1024xf32>
    %add3A_14 = arith.addf %sub3A_10, %add3A : vector<512x1024xf32>
    %reduce_min3A = arith.constant dense<0x7F800000> : vector<512xf32>
    %reduce_min3A_15 = vector.multi_reduction <minimumf>, %add3A_14, %reduce_min3A [1] : vector<512x1024xf32> to vector<512xf32>
    %broadcast_in_dim3A_16 = vector.shape_cast %reduce_min3A_15 : vector<512xf32> to vector<512x1xf32>
    %iota3A = tpu.iota {dimensions = array<i32: 1>} : vector<512x1024xi32>
    %le3A = vector.broadcast %broadcast_in_dim3A_16 : vector<512x1xf32> to vector<512x1024xf32>
    %le3A_17 = arith.cmpf ole, %add3A_14, %le3A : vector<512x1024xf32>
    %jit3A = arith.constant 1024 : i32
    %broadcast_in_dim3A_18 = vector.broadcast %jit3A : i32 to vector<512x1024xi32>
    %select_n3A = arith.select %le3A_17, %iota3A, %broadcast_in_dim3A_18 : vector<512x1024xi1>, vector<512x1024xi32>
    %reduce_min3A_19 = arith.constant dense<2147483647> : vector<512xi32>
    %reduce_min3A_20 = vector.multi_reduction <minsi>, %select_n3A, %reduce_min3A_19 [1] : vector<512x1024xi32> to vector<512xi32>
    %reshape3A = vector.shape_cast %reduce_min3A_20 : vector<512xi32> to vector<256x2xi32>
    %slice3A = vector.extract_strided_slice %reshape3A {offsets = [0, 0], sizes = [256, 1], strides = [1, 1]} : vector<256x2xi32> to vector<256x1xi32>
    %squeeze3A = vector.shape_cast %slice3A : vector<256x1xi32> to vector<256xi32>
    %swap3A = arith.constant 0 : index
    %swap3A_21 = vector.load %arg4[%swap3A] : memref<256xi32, #tpu.memory_space<vmem>>, vector<256xi32>
    tpu.vector_store %arg4[%swap3A], %squeeze3A {strides = array<i32>} : memref<256xi32, #tpu.memory_space<vmem>>, vector<256xi32>,
    %slice3A_22 = vector.extract_strided_slice %reshape3A {offsets = [0, 1], sizes = [256, 1], strides = [1, 1]} : vector<256x2xi32> to vector<256x1xi32>
    %squeeze3A_23 = vector.shape_cast %slice3A_22 : vector<256x1xi32> to vector<256xi32>
    %swap3A_24 = arith.constant 0 : index
    %swap3A_25 = vector.load %arg5[%swap3A_24] : memref<256xi32, #tpu.memory_space<vmem>>, vector<256xi32>
    tpu.vector_store %arg5[%swap3A_24], %squeeze3A_23 {strides = array<i32>} : memref<256xi32, #tpu.memory_space<vmem>>, vector<256xi32>,
    return
  }
  func.func @transform_0(%arg0: i32) -> (i32, i32) {
    %add3A = arith.constant 20 : i32
    %add3A_0 = arith.addi %arg0, %add3A : i32
    %c0_i32 = arith.constant 0 : i32
    %c0_i32_1 = arith.constant 0 : i32
    return %add3A_0, %c0_i32 : i32, i32
  }
  func.func @transform_1(%arg0: i32) -> (i32, i32) {
    %c0_i32 = arith.constant 0 : i32
    %c0_i32_0 = arith.constant 0 : i32
    %c0_i32_1 = arith.constant 0 : i32
    return %c0_i32, %c0_i32_0 : i32, i32
  }
  func.func @transform_2(%arg0: i32) -> (i32, i32) {
    %c0_i32 = arith.constant 0 : i32
    %c0_i32_0 = arith.constant 0 : i32
    %c0_i32_1 = arith.constant 0 : i32
    return %c0_i32, %c0_i32_0 : i32, i32
  }
  func.func @transform_3(%arg0: i32) -> i32 {
    %c0_i32 = arith.constant 0 : i32
    return %arg0 : i32
  }
  func.func @transform_4(%arg0: i32) -> i32 {
    %c0_i32 = arith.constant 0 : i32
    return %arg0 : i32
  }
}

module attributes {stable_mosaic.version = 14 : i64} {
  func.func @_argmin_tiled_body(%arg0: i32, %arg1: memref<512x256xf32, #tpu.memory_space<vmem>>, %arg2: memref<256x1024xf32, #tpu.memory_space<vmem>>, %arg3: memref<1x1024xf32, #tpu.memory_space<vmem>>, %arg4: memref<1x2x256xi32, #tpu.memory_space<vmem>>) attributes {dimension_semantics = [#tpu.dimension_semantics<arbitrary>], iteration_bounds = array<i64: 20>, scalar_prefetch = 0 : i64, scratch_operands = 0 : i64, tpu.core_type = #tpu.core_type<tc>, window_params = [{transform_indices = @transform_0, window_bounds = array<i64: 512, 256>}, {pipeline_mode = #tpu.pipeline_mode<synchronous>, transform_indices = @transform_1, window_bounds = array<i64: 256, 1024>}, {pipeline_mode = #tpu.pipeline_mode<synchronous>, transform_indices = @transform_2, window_bounds = array<i64: 1, 1024>}, {transform_indices = @transform_3, window_bounds = array<i64: 1, 2, 256>}]} {
    %get3A = arith.constant 0 : index
    %get3A_0 = arith.constant 0 : index
    %get3A_1 = vector.load %arg1[%get3A, %get3A_0] : memref<512x256xf32, #tpu.memory_space<vmem>>, vector<512x256xf32>
    %get3A_2 = arith.constant 0 : index
    %get3A_3 = arith.constant 0 : index
    %get3A_4 = vector.load %arg2[%get3A_2, %get3A_3] : memref<256x1024xf32, #tpu.memory_space<vmem>>, vector<256x1024xf32>
    %dot_general3A = arith.constant dense<0.000000e+00> : vector<512x1024xf32>
    %dot_general3A_5 = tpu.matmul %get3A_1, %get3A_4, %dot_general3A {dimension_numbers = #tpu.dot_dimension_numbers<[1], [0], [0], [1], [0, 0, 1, 1], [], []>, transpose_lhs_hint = false} : vector<512x256xf32>, vector<256x1024xf32>, vector<512x1024xf32> -> vector<512x1024xf32>
    %mul3A = arith.mulf %get3A_1, %get3A_1 : vector<512x256xf32>
    %reduce_sum3A = arith.constant dense<0.000000e+00> : vector<512xf32>
    %reduce_sum3A_6 = vector.multi_reduction <add>, %mul3A, %reduce_sum3A [1] : vector<512x256xf32> to vector<512xf32>
    %broadcast_in_dim3A = vector.shape_cast %reduce_sum3A_6 : vector<512xf32> to vector<512x1xf32>
    %mul3A_7 = arith.constant 2.000000e+00 : f32
    %mul3A_8 = vector.broadcast %mul3A_7 : f32 to vector<512x1024xf32>
    %mul3A_9 = arith.mulf %mul3A_8, %dot_general3A_5 : vector<512x1024xf32>
    %sub3A = vector.broadcast %broadcast_in_dim3A : vector<512x1xf32> to vector<512x1024xf32>
    %sub3A_10 = arith.subf %sub3A, %mul3A_9 : vector<512x1024xf32>
    %get3A_11 = arith.constant 0 : index
    %get3A_12 = arith.constant 0 : index
    %get3A_13 = vector.load %arg3[%get3A_11, %get3A_12] : memref<1x1024xf32, #tpu.memory_space<vmem>>, vector<1x1024xf32>
    %add3A = vector.broadcast %get3A_13 : vector<1x1024xf32> to vector<512x1024xf32>
    %add3A_14 = arith.addf %sub3A_10, %add3A : vector<512x1024xf32>
    %reduce_min3A = arith.constant dense<0x7F800000> : vector<512xf32>
    %reduce_min3A_15 = vector.multi_reduction <minimumf>, %add3A_14, %reduce_min3A [1] : vector<512x1024xf32> to vector<512xf32>
    %broadcast_in_dim3A_16 = vector.shape_cast %reduce_min3A_15 : vector<512xf32> to vector<512x1xf32>
    %iota3A = tpu.iota {dimensions = array<i32: 1>} : vector<512x1024xi32>
    %le3A = vector.broadcast %broadcast_in_dim3A_16 : vector<512x1xf32> to vector<512x1024xf32>
    %le3A_17 = arith.cmpf ole, %add3A_14, %le3A : vector<512x1024xf32>
    %jit3A = arith.constant 1024 : i32
    %broadcast_in_dim3A_18 = vector.broadcast %jit3A : i32 to vector<512x1024xi32>
    %select_n3A = arith.select %le3A_17, %iota3A, %broadcast_in_dim3A_18 : vector<512x1024xi1>, vector<512x1024xi32>
    %reduce_min3A_19 = arith.constant dense<2147483647> : vector<512xi32>
    %reduce_min3A_20 = vector.multi_reduction <minsi>, %select_n3A, %reduce_min3A_19 [1] : vector<512x1024xi32> to vector<512xi32>
    %reshape3A = vector.shape_cast %reduce_min3A_20 : vector<512xi32> to vector<256x2xi32>
    %slice3A = vector.extract_strided_slice %reshape3A {offsets = [0, 0], sizes = [256, 1], strides = [1, 1]} : vector<256x2xi32> to vector<256x1xi32>
    %squeeze3A = vector.shape_cast %slice3A : vector<256x1xi32> to vector<256xi32>
    %swap3A = arith.constant 0 : index
    %swap3A_21 = arith.constant 0 : index
    %swap3A_22 = arith.constant 0 : index
    %swap3A_23 = vector.load %arg4[%swap3A, %swap3A_21, %swap3A_22] : memref<1x2x256xi32, #tpu.memory_space<vmem>>, vector<1x1x256xi32>
    %swap3A_24 = vector.shape_cast %swap3A_23 : vector<1x1x256xi32> to vector<256xi32>
    %swap3A_25 = vector.shape_cast %squeeze3A : vector<256xi32> to vector<1x1x256xi32>
    tpu.vector_store %arg4[%swap3A, %swap3A_21, %swap3A_22], %swap3A_25 {strides = array<i32>} : memref<1x2x256xi32, #tpu.memory_space<vmem>>, vector<1x1x256xi32>,
    %slice3A_26 = vector.extract_strided_slice %reshape3A {offsets = [0, 1], sizes = [256, 1], strides = [1, 1]} : vector<256x2xi32> to vector<256x1xi32>
    %squeeze3A_27 = vector.shape_cast %slice3A_26 : vector<256x1xi32> to vector<256xi32>
    %swap3A_28 = arith.constant 0 : index
    %swap3A_29 = arith.constant 1 : index
    %swap3A_30 = arith.constant 0 : index
    %swap3A_31 = vector.load %arg4[%swap3A_28, %swap3A_29, %swap3A_30] : memref<1x2x256xi32, #tpu.memory_space<vmem>>, vector<1x1x256xi32>
    %swap3A_32 = vector.shape_cast %swap3A_31 : vector<1x1x256xi32> to vector<256xi32>
    %swap3A_33 = vector.shape_cast %squeeze3A_27 : vector<256xi32> to vector<1x1x256xi32>
    tpu.vector_store %arg4[%swap3A_28, %swap3A_29, %swap3A_30], %swap3A_33 {strides = array<i32>} : memref<1x2x256xi32, #tpu.memory_space<vmem>>, vector<1x1x256xi32>,
    return
  }
  func.func @transform_0(%arg0: i32) -> (i32, i32) {
    %add3A = arith.constant 0 : i32
    %add3A_0 = arith.addi %arg0, %add3A : i32
    %c0_i32 = arith.constant 0 : i32
    %c0_i32_1 = arith.constant 0 : i32
    return %add3A_0, %c0_i32 : i32, i32
  }
  func.func @transform_1(%arg0: i32) -> (i32, i32) {
    %c0_i32 = arith.constant 0 : i32
    %c0_i32_0 = arith.constant 0 : i32
    %c0_i32_1 = arith.constant 0 : i32
    return %c0_i32, %c0_i32_0 : i32, i32
  }
  func.func @transform_2(%arg0: i32) -> (i32, i32) {
    %c0_i32 = arith.constant 0 : i32
    %c0_i32_0 = arith.constant 0 : i32
    %c0_i32_1 = arith.constant 0 : i32
    return %c0_i32, %c0_i32_0 : i32, i32
  }
  func.func @transform_3(%arg0: i32) -> (i32, i32, i32) {
    %c0_i32 = arith.constant 0 : i32
    %c0_i32_0 = arith.constant 0 : i32
    %c0_i32_1 = arith.constant 0 : i32
    return %arg0, %c0_i32, %c0_i32_0 : i32, i32, i32
  }
}

module attributes {stable_mosaic.version = 14 : i64} {
  func.func @_onehot_body(%arg0: i32, %arg1: memref<1x2x256xi32, #tpu.memory_space<vmem>>, %arg2: memref<1024x256xf32, #tpu.memory_space<vmem>>, %arg3: memref<8x1024x512xf32, #tpu.memory_space<any>>, %arg4: memref<1x256x512xf32, #tpu.memory_space<vmem>>) attributes {dimension_semantics = [#tpu.dimension_semantics<arbitrary>], iteration_bounds = array<i64: 20>, scalar_prefetch = 0 : i64, scratch_operands = 0 : i64, tpu.core_type = #tpu.core_type<tc>, window_params = [{transform_indices = @transform_0, window_bounds = array<i64: 1, 2, 256>}, {pipeline_mode = #tpu.pipeline_mode<synchronous>, transform_indices = @transform_1, window_bounds = array<i64: 1024, 256>}, {}, {transform_indices = @transform_3, window_bounds = array<i64: 1, 256, 512>}]} {
    %get3A = arith.constant 0 : index
    %get3A_0 = arith.constant 0 : index
    %get3A_1 = vector.load %arg2[%get3A, %get3A_0] : memref<1024x256xf32, #tpu.memory_space<vmem>>, vector<1024x256xf32>
    %iota3A = tpu.iota {dimensions = array<i32: 1>} : vector<256x1024xi32>
    %get3A_2 = arith.constant 0 : index
    %get3A_3 = arith.constant 0 : index
    %get3A_4 = arith.constant 0 : index
    %get3A_5 = vector.load %arg1[%get3A_2, %get3A_3, %get3A_4] : memref<1x2x256xi32, #tpu.memory_space<vmem>>, vector<1x1x256xi32>
    %get3A_6 = vector.shape_cast %get3A_5 : vector<1x1x256xi32> to vector<256xi32>
    %broadcast_in_dim3A = vector.shape_cast %get3A_6 : vector<256xi32> to vector<256x1xi32>
    %eq3A = vector.broadcast %broadcast_in_dim3A : vector<256x1xi32> to vector<256x1024xi32>
    %eq3A_7 = arith.cmpi eq, %eq3A, %iota3A : vector<256x1024xi32>
    %convert_element_type3A = arith.extui %eq3A_7 : vector<256x1024xi1> to vector<256x1024xi32>
    %convert_element_type3A_8 = arith.sitofp %convert_element_type3A : vector<256x1024xi32> to vector<256x1024xf32>
    %get3A_9 = arith.constant 0 : index
    %get3A_10 = arith.constant 1 : index
    %get3A_11 = arith.constant 0 : index
    %get3A_12 = vector.load %arg1[%get3A_9, %get3A_10, %get3A_11] : memref<1x2x256xi32, #tpu.memory_space<vmem>>, vector<1x1x256xi32>
    %get3A_13 = vector.shape_cast %get3A_12 : vector<1x1x256xi32> to vector<256xi32>
    %broadcast_in_dim3A_14 = vector.shape_cast %get3A_13 : vector<256xi32> to vector<256x1xi32>
    %eq3A_15 = vector.broadcast %broadcast_in_dim3A_14 : vector<256x1xi32> to vector<256x1024xi32>
    %eq3A_16 = arith.cmpi eq, %eq3A_15, %iota3A : vector<256x1024xi32>
    %convert_element_type3A_17 = arith.extui %eq3A_16 : vector<256x1024xi1> to vector<256x1024xi32>
    %convert_element_type3A_18 = arith.sitofp %convert_element_type3A_17 : vector<256x1024xi32> to vector<256x1024xf32>
    %dot_general3A = arith.constant dense<0.000000e+00> : vector<256x256xf32>
    %dot_general3A_19 = tpu.matmul %convert_element_type3A_8, %get3A_1, %dot_general3A {dimension_numbers = #tpu.dot_dimension_numbers<[1], [0], [0], [1], [0, 0, 1, 1], [], []>, transpose_lhs_hint = false} : vector<256x1024xf32>, vector<1024x256xf32>, vector<256x256xf32> -> vector<256x256xf32>
    %swap3A = arith.constant 0 : index
    %swap3A_20 = arith.constant 0 : index
    %swap3A_21 = arith.constant 0 : index
    %swap3A_22 = vector.load %arg4[%swap3A, %swap3A_20, %swap3A_21] : memref<1x256x512xf32, #tpu.memory_space<vmem>>, vector<1x256x256xf32>
    %swap3A_23 = vector.shape_cast %swap3A_22 : vector<1x256x256xf32> to vector<256x256xf32>
    %swap3A_24 = vector.shape_cast %dot_general3A_19 : vector<256x256xf32> to vector<1x256x256xf32>
    tpu.vector_store %arg4[%swap3A, %swap3A_20, %swap3A_21], %swap3A_24 {strides = array<i32>} : memref<1x256x512xf32, #tpu.memory_space<vmem>>, vector<1x256x256xf32>,
    %dot_general3A_25 = arith.constant dense<0.000000e+00> : vector<256x256xf32>
    %dot_general3A_26 = tpu.matmul %convert_element_type3A_18, %get3A_1, %dot_general3A_25 {dimension_numbers = #tpu.dot_dimension_numbers<[1], [0], [0], [1], [0, 0, 1, 1], [], []>, transpose_lhs_hint = false} : vector<256x1024xf32>, vector<1024x256xf32>, vector<256x256xf32> -> vector<256x256xf32>
    %swap3A_27 = arith.constant 0 : index
    %swap3A_28 = arith.constant 0 : index
    %swap3A_29 = arith.constant 256 : index
    %swap3A_30 = vector.load %arg4[%swap3A_27, %swap3A_28, %swap3A_29] : memref<1x256x512xf32, #tpu.memory_space<vmem>>, vector<1x256x256xf32>
    %swap3A_31 = vector.shape_cast %swap3A_30 : vector<1x256x256xf32> to vector<256x256xf32>
    %swap3A_32 = vector.shape_cast %dot_general3A_26 : vector<256x256xf32> to vector<1x256x256xf32>
    tpu.vector_store %arg4[%swap3A_27, %swap3A_28, %swap3A_29], %swap3A_32 {strides = array<i32>} : memref<1x256x512xf32, #tpu.memory_space<vmem>>, vector<1x256x256xf32>,
    return
  }
  func.func @transform_0(%arg0: i32) -> (i32, i32, i32) {
    %c0_i32 = arith.constant 0 : i32
    %c0_i32_0 = arith.constant 0 : i32
    %c0_i32_1 = arith.constant 0 : i32
    return %arg0, %c0_i32, %c0_i32_0 : i32, i32, i32
  }
  func.func @transform_1(%arg0: i32) -> (i32, i32) {
    %c0_i32 = arith.constant 0 : i32
    %c0_i32_0 = arith.constant 0 : i32
    %c0_i32_1 = arith.constant 0 : i32
    return %c0_i32, %c0_i32_0 : i32, i32
  }
  func.func @transform_3(%arg0: i32) -> (i32, i32, i32) {
    %jit3A = arith.constant 4 : i32
    %div3A = arith.divsi %arg0, %jit3A : i32
    %sign3A = arith.constant 0 : i32
    %sign3A_0 = arith.cmpi sgt, %arg0, %sign3A : i32
    %sign3A_1 = arith.extui %sign3A_0 : i1 to i32
    %sign3A_2 = arith.constant 0 : i32
    %sign3A_3 = arith.cmpi slt, %arg0, %sign3A_2 : i32
    %sign3A_4 = arith.extui %sign3A_3 : i1 to i32
    %sign3A_5 = arith.subi %sign3A_1, %sign3A_4 : i32
    %sign3A_6 = arith.constant 0 : i32
    %sign3A_7 = arith.cmpi sgt, %jit3A, %sign3A_6 : i32
    %sign3A_8 = arith.extui %sign3A_7 : i1 to i32
    %sign3A_9 = arith.constant 0 : i32
    %sign3A_10 = arith.cmpi slt, %jit3A, %sign3A_9 : i32
    %sign3A_11 = arith.extui %sign3A_10 : i1 to i32
    %sign3A_12 = arith.subi %sign3A_8, %sign3A_11 : i32
    %ne3A = arith.cmpi ne, %sign3A_5, %sign3A_12 : i32
    %rem3A = arith.remsi %arg0, %jit3A : i32
    %ne3A_13 = arith.constant 0 : i32
    %ne3A_14 = arith.cmpi ne, %rem3A, %ne3A_13 : i32
    %and3A = arith.andi %ne3A, %ne3A_14 : i1
    %sub3A = arith.constant 1 : i32
    %sub3A_15 = arith.subi %div3A, %sub3A : i32
    %select_n3A = arith.select %and3A, %sub3A_15, %div3A : i32
    %jit3A_16 = arith.constant 4 : i32
    %eq3A = arith.constant 0 : i32
    %eq3A_17 = arith.cmpi eq, %jit3A_16, %eq3A : i32
    %jit3A_18 = arith.constant 1 : i32
    %select_n3A_19 = arith.select %eq3A_17, %jit3A_18, %jit3A_16 : i32
    %rem3A_20 = arith.remsi %arg0, %select_n3A_19 : i32
    %ne3A_21 = arith.constant 0 : i32
    %ne3A_22 = arith.cmpi ne, %rem3A_20, %ne3A_21 : i32
    %lt3A = arith.constant 0 : i32
    %lt3A_23 = arith.cmpi slt, %rem3A_20, %lt3A : i32
    %lt3A_24 = arith.constant 0 : i32
    %lt3A_25 = arith.cmpi slt, %select_n3A_19, %lt3A_24 : i32
    %ne3A_26 = arith.xori %lt3A_23, %lt3A_25 : i1
    %and3A_27 = arith.andi %ne3A_26, %ne3A_22 : i1
    %add3A = arith.addi %rem3A_20, %select_n3A_19 : i32
    %select_n3A_28 = arith.select %and3A_27, %add3A, %rem3A_20 : i32
    %c0_i32 = arith.constant 0 : i32
    %c0_i32_29 = arith.constant 0 : i32
    return %select_n3A, %select_n3A_28, %c0_i32 : i32, i32, i32
  }
}

</mosaic_0001>

<sc_bundles>
// kernel: kernel.6.cloned.1.call-start
scs
__scs_entry_jumppad:
0x0: {  	(pc) =	sbr.rel $0x88, $3  }
0x1: {  	(tag) =	ssettag $0x0;
	lr =	simm.s32 $0x1  }
0x2: {  	[smem:$0x3F9D] =	sst lr;
	_ =	strace $0xD0000000  }
0x3: {  	_ = 	snop  }
0x4: {  	_ = 	snop  }
0x5: {  	_ = 	snop  }
0x6: {  	_ = 	snop  }
0x7: {  	_ = 	snop  }
__scs_overlays_trampoline_lowered:
0x8: {  	[smem:$0x3FAC] =	sst s0  }
0x9: {  	[smem:$0x3FAD] =	sst s1  }
0xa: {  	[smem:$0x3FAE] =	sst s2  }
0xb: {  	[smem:$0x3FAF] =	sst s3  }
0xc: {  	[smem:$0x3FB0] =	sst s4  }
0xd: {  	[smem:$0x3FB1] =	sst s5  }
0xe: {  	[smem:$0x3FB2] =	sst s6  }
0xf: {  	[smem:$0x3FB3] =	sst s7  }
0x10: {  	[smem:$0x3FB4] =	sst s8  }
0x11: {  	[smem:$0x3FB5] =	sst s9;
	s0 =	simm.s32 @!p0 $0x0  }
0x12: {  	s1 =	sld [smem:$0x3F9B];
	s0 =	simm.s32 @p0 $0x1  }
0x13: {  	[smem:$0x3FB6] =	sst s0;
	s0 =	simm.s32 @!p1 $0x0  }
0x14: {  	s2 =	sld [smem:$0x3F9A];
	s0 =	simm.s32 @p1 $0x1  }
0x15: {  	[smem:$0x3FB7] =	sst s0;
	s0 =	simm.s32 @!p2 $0x0  }
0x16: {  	s3 =	sld [smem:$0x3FDB];
	s0 =	simm.s32 @p2 $0x1  }
0x17: {  	s4 =	simm.s32 $0x1BF5;
	[smem:$0x3FB9] =	sst s0  }
0x18: {  	s0 =	sld [smem:$0x3F9C];
	_ =	swait.ge [sflag:s4], $0x0  }
0x19: {  	s7 =	sld [smem:$0x3F9D]  }
0x1a: {  	s8 =	sadd.s32 $0xFFFFE003, lr  }
0x1b: {  	s9 =	sadd.s32 $0xFFFFFEF7, lr;
	s5 =	simm.s32 $0xFFFFFFFF;
	p2 =	slt.u32 s8, $0xFFFFF086  }
0x1c: {  	p1 =	slt.u32 s9, $0xF7A;
	s5 =	simm.s32 @!p2 $0x0  }
0x1d: {  	s5 =	simm.s32 @p1 $0x1;
	p0 =	seq.s32 s7, s2  }
0x1e: {  	s7 =	smul.u32 @!p0 $0xF7A, s2;
	p2 =	seq.s32 @!p0 s5, $0x0  }
0x1f: {  	s9 =	smul.u32 $0xF7A, s1;
	s8 =	simm.s32 @!p0 $0x1BF5;
	p2 =	por !p2, p0  }
0x20: {  	[sflag:s8] =	ssyncset.s32 @!p0 $0xFFFFF086;
	s6 =	sadd.s32 @!p0 s3, s7;
	s7 =	simm.s32 @!p0 $0x108  }
0x21: {  	s3 =	sadd.s32 s3, s9;
	s6 =	sadd.s32 @!p0 $0x88, s6;
	s7 =	simm.s32 @p2 $0x1082  }
0x22: {  	[simem:s7], [sflag:s8] =	dma.local @!p0 [hbm:s6], $0xF7A  }
0x23: {  	s9 =	sor.u32 $0xD0000000, s2;
	s6 =	simm.s32 $0x108;
	_ =	swait.ge @!p0 [sflag:s8], $0x0  }
0x24: {  	s3 =	sadd.s32 $0x88, s3;
	s6 =	simm.s32 @!p1 $0x1082;
	[sflag:s4] =	ssyncset.s32 $0xFFFFF086  }
0x25: {  	[simem:s6], [sflag:s4] =	dma.local [hbm:s3], $0xF7A  }
0x26: {  	[smem:$0x3F9D] =	sst s1;
	(tag) =	ssettag s2;
	_ =	strace s9  }
0x27: {  	s1 =	sld [smem:$0x3FAD]  }
0x28: {  	s2 =	sld [smem:$0x3FAE]  }
0x29: {  	s4 =	sld [smem:$0x3FB0]  }
0x2a: {  	p0 =	seq.s32 s5, $0x0;
	s5 =	sld [smem:$0x3FB1]  }
0x2b: {  	s6 =	sld [smem:$0x3FB2]  }
0x2c: {  	s7 =	sld [smem:$0x3FB3]  }
0x2d: {  	s3 =	simm.s32 $0x108;
	s8 =	sld [smem:$0x3FB4]  }
0x2e: {  	s3 =	simm.s32 @!p0 $0x1082;
	s9 =	sld [smem:$0x3FB5]  }
0x2f: {  	lr =	sadd.s32 s0, s3;
	s0 =	sld [smem:$0x3FAC]  }
0x30: {  	s3 =	sld [smem:$0x3FAF]  }
0x31: {  	[smem:$0x3FB8] =	sst s10  }
0x32: {  	s10 =	sld [smem:$0x3FB6];
	_ =	sdelay $0x3  }
0x33: {  	p0 =	seq.s32 s10, $0x1;
	s10 =	sld [smem:$0x3FB8];
	_ =	sdelay $0x3  }
0x34: {  	[smem:$0x3FB8] =	sst s10  }
0x35: {  	s10 =	sld [smem:$0x3FB7];
	_ =	sdelay $0x3  }
0x36: {  	p1 =	seq.s32 s10, $0x1;
	s10 =	sld [smem:$0x3FB8];
	_ =	sdelay $0x3  }
0x37: {  	[smem:$0x3FB8] =	sst s10  }
0x38: {  	s10 =	sld [smem:$0x3FB9]  }
0x39: {  	_ = 	snop;
	(pc) =	sbr.ind lr, $3  }
0x3a: {  	_ = 	snop  }
0x3b: {  	_ = 	snop  }
0x3c: {  	p2 =	seq.s32 s10, $0x1;
	s10 =	sld [smem:$0x3FB8]  }
0x3d: {  	_ =	shalt  }
0x3e: {  	_ =	shalt  }
0x3f: {  	_ =	shalt  }
0x40: {  	_ =	shalt  }
0x41: {  	_ =	shalt  }
0x42: {  	_ =	shalt  }
0x43: {  	_ =	shalt  }
0x44: {  	_ =	shalt  }
0x45: {  	_ =	shalt  }
0x46: {  	_ =	shalt  }
0x47: {  	_ =	shalt  }
0x48: {  	_ =	shalt  }
0x49: {  	_ =	shalt  }
0x4a: {  	_ =	shalt  }
0x4b: {  	_ =	shalt  }
0x4c: {  	_ =	shalt  }
0x4d: {  	_ =	shalt  }
0x4e: {  	_ =	shalt  }
0x4f: {  	_ =	shalt  }
0x50: {  	_ =	shalt  }
0x51: {  	_ =	shalt  }
0x52: {  	_ =	shalt  }
0x53: {  	_ =	shalt  }
0x54: {  	_ =	shalt  }
0x55: {  	_ =	shalt  }
0x56: {  	_ =	shalt  }
0x57: {  	_ =	shalt  }
0x58: {  	_ =	shalt  }
0x59: {  	_ =	shalt  }
0x5a: {  	_ =	shalt  }
0x5b: {  	_ =	shalt  }
0x5c: {  	_ =	shalt  }
0x5d: {  	_ =	shalt  }
0x5e: {  	_ =	shalt  }
0x5f: {  	_ =	shalt  }
0x60: {  	_ =	shalt  }
0x61: {  	_ =	shalt  }
0x62: {  	_ =	shalt  }
0x63: {  	_ =	shalt  }
0x64: {  	_ =	shalt  }
0x65: {  	_ =	shalt  }
0x66: {  	_ =	shalt  }
0x67: {  	_ =	shalt  }
0x68: {  	_ =	shalt  }
0x69: {  	_ =	shalt  }
0x6a: {  	_ =	shalt  }
0x6b: {  	_ =	shalt  }
0x6c: {  	_ =	shalt  }
0x6d: {  	_ =	shalt  }
0x6e: {  	_ =	shalt  }
0x6f: {  	_ =	shalt  }
0x70: {  	_ =	shalt  }
0x71: {  	_ =	shalt  }
0x72: {  	_ =	shalt  }
0x73: {  	_ =	shalt  }
0x74: {  	_ =	shalt  }
0x75: {  	_ =	shalt  }
0x76: {  	_ =	shalt  }
0x77: {  	_ =	shalt  }
0x78: {  	_ =	shalt  }
0x79: {  	_ =	shalt  }
0x7a: {  	_ =	shalt  }
0x7b: {  	_ =	shalt  }
0x7c: {  	_ =	shalt  }
0x7d: {  	_ =	shalt  }
0x7e: {  	_ =	shalt  }
0x7f: {  	_ =	shalt  }
0x80: {  	_ =	shalt  }
0x81: {  	_ =	shalt  }
0x82: {  	_ =	shalt  }
0x83: {  	_ =	shalt  }
0x84: {  	_ =	shalt  }
0x85: {  	_ =	shalt  }
0x86: {  	_ =	shalt  }
0x87: {  	_ =	shalt  }
.Lfunc_end0:
.L_simem_size_0:
called_computation_lowered:
.L_overlay_start_0:
0x88: {  	s2 =	sld [smem:$0x3FD9]  }
0x89: {  	s3 =	sld [smem:$0x3FFE];
	_ =	sdelay $0x1  }
0x8a: {  	s1 =	srdreg.scid  }
0x8b: {  	s0 =	sand.u32 $0x1, s1  }
0x8c: {  	s17 =	sshll.u32 s0, $0xA;
	s2 =	sadd.s32 s3, s2  }
0x8d: {  	s2 =	sadd.s32 s2, s17  }
0x8e: {  	[smem:$0x3FC4] =	sst s2  }
0x8f: {  	_ = 	snop  }
0x90: {  	s2 =	sld [smem:$0x3FC6]  }
0x91: {  	s18 =	sld [smem:$0x3FD0];
	(tm) =	ssettm $0x1  }
0x92: {  	s4 =	sld [smem:$0x3FFB];
	_ =	sdelay $0x3  }
0x93: {  	_ =	strace s4  }
0x94: {  	s4 =	sld [smem:$0x3FFC];
	_ =	sdelay $0x3  }
0x95: {  	_ =	strace s4  }
0x96: {  	s4 =	sld [smem:$0x3FFD];
	_ =	sdelay $0x3  }
0x97: {  	_ =	strace s4  }
0x98: {  	_ =	strace $0x8FFFFFFF  }
0x99: {  	s19 =	sld [smem:$0x3FDB];
	_ =	sdelay $0x1  }
0x9a: {  	s5 =	simm.s32 $_scs_section_size  }
0x9b: {  	s6 =	simm.s32 $_size__tile_overlayer_lowered;
	s7 =	simm.s32 $_tile_overlayer_lowered  }
0x9c: {  	s22 =	simm.s32 $0x1BFF;
	s21 =	sshll.u32 s7, $0x1;
	s4 =	sadd.s32 s5, s19  }
0x9d: {  	s8 =	simm.s32 $0x0;
	s20 =	sshll.u32 s6, $0x1;
	s6 =	sadd.s32 s21, s4  }
0x9e: {  	[timem:s8], [sflag:s22] =	dma.local [hbm:s6], s20  }
0x9f: {  	_ =	swait.ge [sflag:s22], s20  }
0xa0: {  	s5 =	ssub.s32 $0x0, s20;
	[sflag:s22] =	ssyncset.done $0x0  }
0xa1: {  	[sflag:s22] =	ssyncadd.s32 s5;
	_ =	sdelay $0x1  }
0xa2: {  	s23 =	simm.s32 $0x1B8B  }
0xa3: {  	_ =	swait.ge [sflag:s23], $0x1  }
0xa4: {  	[sflag:s23] =	ssyncset.done $0x0  }
0xa5: {  	s25 =	simm.s32 $0x1B8E;
	s24 =	sld [smem:$0x3FFE];
	[sflag:s23] =	ssyncadd.s32 $0xFFFFFFFF  }
0xa6: {  	s26 =	simm.s32 $execute0_lowered;
	[smem:$0x3FD2] =	sst s25  }
0xa7: {  	s6 =	sshll.u32 s26, $0x1;
	_ =	strace $0x80000046;
	[dreg:$0x1] =	wrdreg $0xFFFFFFFF  }
0xa8: {  	s28 =	simm.s32 $_size_execute0_lowered;
	s4 =	sadd.s32 s4, s6;
	[dreg:$0x0] =	wrdreg $0x0  }
0xa9: {  	s6 =	sshll.u32 s28, $0x1;
	[dreg:$0x2] =	wrdreg s4  }
0xaa: {  	[dreg:$0x3] =	wrdreg s6  }
0xab: {  	[dreg:$0x4] =	wrdreg $0xC0  }
0xac: {  	_ =	task [dreg:s8], $0x5FFFF  }
0xad: {  	[dreg:$0x1] =	wrdreg $0xFFFFFFFF  }
0xae: {  	[dreg:$0x0] =	wrdreg $0x60  }
0xaf: {  	[dreg:$0x2] =	wrdreg s2  }
0xb0: {  	[dreg:$0x3] =	wrdreg s24  }
0xb1: {  	[dreg:$0x4] =	wrdreg s18  }
0xb2: {  	[dreg:$0x5] =	wrdreg $0x9  }
0xb3: {  	_ =	task.clear_ibuf [dreg:s8], $0x6FFFF;
	_ =	strace $0x90000046  }
0xb4: {  	s29 =	simm.s32 $0x9;
	_ =	strace $0x80000048  }
0xb5: {  	_ =	swait.ge [sflag:s29], $0x1  }
0xb6: {  	[sflag:s29] =	ssyncadd.s32 $0xFFFFFFFF  }
0xb7: {  	_ =	strace $0x90000048  }
0xb8: {  	_ =	sfence  }
0xb9: {  	s30 =	sld [smem:$0x0];
	_ =	sdelay $0x2  }
0xba: {  	s31 =	sshll.u32 s1, $0xD;
	s1 =	sshrl.u32 s1, $0x2  }
0xbb: {  	s3 =	sand.u32 $0x4000, s31;
	s1 =	sadd.s32 s1, s30  }
0xbc: {  	s0 =	sor.u32 s3, s0;
	s1 =	sshll.u32 s1, $0x11  }
0xbd: {  	s0 =	sor.u32 s1, s0  }
0xbe: {  	s0 =	sadd.s32 $0x8F2B, s0  }
0xbf: {  	[sflag:s0] =	ssyncadd.remote.s32 $0x1  }
0xc0: {  	_ =	sfence.sel $0xFFFF  }
0xc1: {  	[dreg:$0x0] =	wrdreg $0xFFFFFFFF;
	(pc) =	sbr.abs _section_cstart, $3  }
0xc2: {  	[dreg:$0x1] =	wrdreg $0xFFFFFFFF  }
0xc3: {  	_ =	task.clear_ibuf [dreg:s8], $0x2FFFF;
	_ =	strace $0x9FFFFFFF  }
0xc4: {  	(tm) =	ssettm $0x7FFFFFFF  }
0xc5: {  	_ =	shalt  }
tec
execute0_lowered:
.L_overlay_start_1:
0x0: {  	(tag) =	ssettag $0x1  }
0x1: {  	s2 =	srdreg.scid;
	s1 =	rddreg [dreg:$0x0]  }
0x2: {  	s0 =	stileid.u32;
	s4 =	rddreg [dreg:$0x1]  }
0x3: {  	s6 =	rddreg [dreg:$0x2];
	s21 =	simm.s32 $0x80;
	s23 =	simm.s32 $0x900  }
0x4: {  	s24 =	simm.s32 $0x1100;
	s25 =	simm.s32 $0x1900;
	s26 =	simm.s32 $0x2900  }
0x5: {  	s9 =	simm.s32 $0x3900;
	s10 =	simm.s32 $0x4100;
	s11 =	simm.s32 $0x4900  }
0x6: {  	s12 =	simm.s32 $0x5100;
	s2 =	sand.u32 $0x1, s2;
	s3 =	sshll.u32 s0, $0x1  }
0x7: {  	s13 =	simm.s32 $0x5900;
	s5 =	sor.u32 s2, s3;
	s3 =	simm.s32 $0x0  }
0x8: {  	s28 =	simm.s32 $0x800;
	s29 =	simm.s32 $0x1000;
	[smem:$0x7FF] =	sst s3  }
0x9: {  	s30 =	simm.s32 $0x2;
	_ =	strace $0x80000047;
	[dreg:$0xc] =	wrdreg s21  }
0xa: {  	s31 =	simm.s32 $0x3;
	s2 =	ssub.s32 $0x2, s2;
	[dreg:$0xd] =	wrdreg s23  }
0xb: {  	s7 =	smul.u32 $0xC, s5;
	s22 =	sshrl.u32 s2, $0x1;
	[dreg:$0xe] =	wrdreg s24  }
0xc: {  	s5 =	smul.u32 $0xC000, s5;
	s2 =	ssub.s32 s2, s22;
	[dreg:$0xf] =	wrdreg s25  }
0xd: {  	[dreg:$0x10] =	wrdreg s26;
	s21 =	simm.s32 $0x9900;
	s22 =	simm.s32 $0xA100  }
0xe: {  	s23 =	simm.s32 $0xA900;
	s24 =	simm.s32 $0xB100;
	s25 =	simm.s32 $0xB900  }
0xf: {  	s26 =	simm.s32 $0x1;
	s4 =	sadd.s32 s7, s4;
	s14 =	sadd.s32 $0x280000, s5  }
0x10: {  	s5 =	sshrl.u32 s5, $0x3;
	s7 =	sadd.s32 $0x1000, s4;
	s4 =	sadd.s32 $0x1200, s4  }
0x11: {  	s8 =	sadd.s32 $0x50800, s5;
	s5 =	sadd.s32 $0x51000, s5;
	[dreg:$0x4] =	wrdreg s7  }
0x12: {  	s7 =	sshrl.u32 s14, $0x3;
	[dreg:$0x5] =	wrdreg s4;
	s16 =	sadd.s32 s6, s8  }
0x13: {  	s17 =	sadd.s32 s6, s5;
	s4 =	smax.u32 s2, $0x1;
	s14 =	simm.s32 $0x6100  }
0x14: {  	s2 =	simm.s32 $0x4;
	s15 =	sadd.s32 s6, s7;
	[dreg:$0x7] =	wrdreg s16  }
0x15: {  	s6 =	sadd.s32 $0x100, s6;
	[dreg:$0x8] =	wrdreg s17;
	s16 =	simm.s32 $0x7100  }
0x16: {  	s17 =	simm.s32 $0x7900;
	[dreg:$0x6] =	wrdreg s15;
	s18 =	sadd.s32 s7, s6  }
0x17: {  	s19 =	sadd.s32 s8, s6;
	s20 =	sadd.s32 s5, s6;
	[dreg:$0x9] =	wrdreg s18  }
0x18: {  	v2 =	vlaneseq.u32;
	s5 =	simm.s32 $0x5;
	s6 =	simm.s32 $0x100;
	[dreg:$0xa] =	wrdreg s19  }
0x19: {  	vm0 =	vmmov $0xffff;
	v1 =	vshrl.u32 v2, $0x3;
	s7 =	simm.s32 $0x2100;
	s15 =	simm.s32 $0x6900;
	[dreg:$0xb] =	wrdreg s20  }
0x1a: {  	v0 =	vand.u32 $0x7, v2;
	v2 =	vor.u32 $0x8, v2;
	v1 =	vmul.u32 $0x8, v1;
	s18 =	simm.s32 $0x8100;
	s19 =	simm.s32 $0x8900;
	s20 =	simm.s32 $0x9100  }
.LBB2_1:
0x1b: {  	s0 =	rddreg [dreg:$0x4]  }
0x1c: {  	[tilespmem:s3], [sflag:$0x5] =	stream.linear.gather [hbm4b:s0+s3], $0x60, $0x38;
	[tilespmem:$0xC100] =	vst v63  }
0x1d: {  	_ =	swait.ge [sflag:s5], $0x60  }
0x1e: {  	s0 =	rddreg [dreg:$0x5];
	[sflag:s5] =	ssyncset.done $0x0  }
0x1f: {  	s8 =	rddreg [dreg:$0xc];
	[sflag:s5] =	ssyncadd.s32 $0xFFFFFFA0  }
0x20: {  	[tilespmem:s8], [sflag:$0x5] =	stream.linear.gather [hbm4b:s0+s3], $0x60, $0x38;
	[tilespmem:$0xC100] =	vst v63  }
0x21: {  	_ =	swait.ge [sflag:s5], $0x60  }
0x22: {  	[sflag:s5] =	ssyncset.done $0x0  }
0x23: {  	[sflag:s5] =	ssyncadd.s32 $0xFFFFFFA0  }
0x24: {  	v3 =	vld [tilespmem:$0x0];
	_ =	sdelay $0x4  }
0x25: {  	v4 =	vshll.u32 v3, $0x1  }
0x26: {  	v3 =	vand.u32 $0x7, v3;
	v4 =	vand.u32 $0xFFFFFFF0, v4  }
0x27: {  	v3 =	vor.u32 v3, v4  }
0x28: {  	v4 =	vperm.xlane v3, v0;
	_ =	sdelay $0x1  }
0x29: {  	v3 =	vperm.xlane v3, v2;
	v4 =	vadd.s32 v1, v4;
	_ =	sdelay $0x1  }
0x2a: {  	v3 =	vadd.s32 v1, v3;
	_ =	sdelay $0x2  }
0x2b: {  	[tilespmem:s6], [sflag:$0x1] =	stream.indirect_vreg.gather [hbm4b:s1+s3], $0x80, v4, vm0, $0xb8;
	[tilespmem:$0xC100] =	vst v63  }
0x2c: {  	s8 =	rddreg [dreg:$0xd]  }
0x2d: {  	[tilespmem:s8], [sflag:$0x1] =	stream.indirect_vreg.gather [hbm4b:s1+s3], $0x80, v3, vm0, $0xb8;
	[tilespmem:$0xC100] =	vst v63  }
0x2e: {  	v3 =	vld [tilespmem:$0x10];
	_ =	sdelay $0x4  }
0x2f: {  	v53 =	vshll.u32 v3, $0x1  }
0x30: {  	v3 =	vand.u32 $0x7, v3;
	v4 =	vand.u32 $0xFFFFFFF0, v53  }
0x31: {  	v3 =	vor.u32 v3, v4  }
0x32: {  	v4 =	vperm.xlane v3, v0;
	_ =	sdelay $0x1  }
0x33: {  	v3 =	vperm.xlane v3, v2;
	v4 =	vadd.s32 v1, v4;
	_ =	sdelay $0x1  }
0x34: {  	v3 =	vadd.s32 v1, v3;
	_ =	sdelay $0x1  }
0x35: {  	s0 =	rddreg [dreg:$0xe]  }
0x36: {  	[tilespmem:s0], [sflag:$0x1] =	stream.indirect_vreg.gather [hbm4b:s1+s3], $0x80, v4, vm0, $0xb8;
	[tilespmem:$0xC100] =	vst v63  }
0x37: {  	s8 =	rddreg [dreg:$0xf]  }
0x38: {  	[tilespmem:s8], [sflag:$0x1] =	stream.indirect_vreg.gather [hbm4b:s1+s3], $0x80, v3, vm0, $0xb8;
	[tilespmem:$0xC100] =	vst v63  }
0x39: {  	v3 =	vld [tilespmem:$0x20];
	_ =	sdelay $0x4  }
0x3a: {  	v54 =	vshll.u32 v3, $0x1  }
0x3b: {  	v3 =	vand.u32 $0x7, v3;
	v4 =	vand.u32 $0xFFFFFFF0, v54  }
0x3c: {  	v3 =	vor.u32 v3, v4  }
0x3d: {  	v4 =	vperm.xlane v3, v0;
	_ =	sdelay $0x1  }
0x3e: {  	v3 =	vperm.xlane v3, v2;
	v4 =	vadd.s32 v1, v4;
	_ =	sdelay $0x1  }
0x3f: {  	v3 =	vadd.s32 v1, v3;
	_ =	sdelay $0x2  }
0x40: {  	[tilespmem:s7], [sflag:$0x1] =	stream.indirect_vreg.gather [hbm4b:s1+s3], $0x80, v4, vm0, $0xb8;
	[tilespmem:$0xC100] =	vst v63  }
0x41: {  	s8 =	rddreg [dreg:$0x10]  }
0x42: {  	[tilespmem:s8], [sflag:$0x1] =	stream.indirect_vreg.gather [hbm4b:s1+s3], $0x80, v3, vm0, $0xb8;
	[tilespmem:$0xC100] =	vst v63  }
0x43: {  	v3 =	vld [tilespmem:$0x30];
	_ =	sdelay $0x4  }
0x44: {  	v55 =	vshll.u32 v3, $0x1  }
0x45: {  	v3 =	vand.u32 $0x7, v3;
	v4 =	vand.u32 $0xFFFFFFF0, v55  }
0x46: {  	v3 =	vor.u32 v3, v4  }
0x47: {  	v4 =	vperm.xlane v3, v0;
	_ =	sdelay $0x1  }
0x48: {  	v3 =	vperm.xlane v3, v2;
	v4 =	vadd.s32 v1, v4;
	_ =	sdelay $0x1  }
0x49: {  	v3 =	vadd.s32 v1, v3;
	_ =	sdelay $0x1  }
0x4a: {  	s8 =	simm.s32 $0x3100  }
0x4b: {  	[tilespmem:s8], [sflag:$0x1] =	stream.indirect_vreg.gather [hbm4b:s1+s3], $0x80, v4, vm0, $0xb8;
	[tilespmem:$0xC100] =	vst v63  }
0x4c: {  	_ = 	snop  }
0x4d: {  	[tilespmem:s9], [sflag:$0x1] =	stream.indirect_vreg.gather [hbm4b:s1+s3], $0x80, v3, vm0, $0xb8;
	[tilespmem:$0xC100] =	vst v63  }
0x4e: {  	v3 =	vld [tilespmem:$0x40];
	_ =	sdelay $0x4  }
0x4f: {  	v56 =	vshll.u32 v3, $0x1  }
0x50: {  	v3 =	vand.u32 $0x7, v3;
	v4 =	vand.u32 $0xFFFFFFF0, v56  }
0x51: {  	v3 =	vor.u32 v3, v4  }
0x52: {  	v4 =	vperm.xlane v3, v0;
	_ =	sdelay $0x1  }
0x53: {  	v3 =	vperm.xlane v3, v2;
	v4 =	vadd.s32 v1, v4;
	_ =	sdelay $0x1  }
0x54: {  	v3 =	vadd.s32 v1, v3;
	_ =	sdelay $0x2  }
0x55: {  	[tilespmem:s10], [sflag:$0x1] =	stream.indirect_vreg.gather [hbm4b:s1+s3], $0x80, v4, vm0, $0xb8;
	[tilespmem:$0xC100] =	vst v63  }
0x56: {  	_ = 	snop  }
0x57: {  	[tilespmem:s11], [sflag:$0x1] =	stream.indirect_vreg.gather [hbm4b:s1+s3], $0x80, v3, vm0, $0xb8;
	[tilespmem:$0xC100] =	vst v63  }
0x58: {  	v3 =	vld [tilespmem:$0x50];
	_ =	sdelay $0x4  }
0x59: {  	v57 =	vshll.u32 v3, $0x1  }
0x5a: {  	v3 =	vand.u32 $0x7, v3;
	v4 =	vand.u32 $0xFFFFFFF0, v57  }
0x5b: {  	v3 =	vor.u32 v3, v4  }
0x5c: {  	v4 =	vperm.xlane v3, v0;
	_ =	sdelay $0x1  }
0x5d: {  	v3 =	vperm.xlane v3, v2;
	v4 =	vadd.s32 v1, v4;
	_ =	sdelay $0x1  }
0x5e: {  	v3 =	vadd.s32 v1, v3;
	_ =	sdelay $0x2  }
0x5f: {  	[tilespmem:s12], [sflag:$0x1] =	stream.indirect_vreg.gather [hbm4b:s1+s3], $0x80, v4, vm0, $0xb8;
	[tilespmem:$0xC100] =	vst v63  }
0x60: {  	_ = 	snop  }
0x61: {  	[tilespmem:s13], [sflag:$0x1] =	stream.indirect_vreg.gather [hbm4b:s1+s3], $0x80, v3, vm0, $0xb8;
	[tilespmem:$0xC100] =	vst v63  }
0x62: {  	v3 =	vld [tilespmem:$0x80];
	_ =	sdelay $0x4  }
0x63: {  	v58 =	vshll.u32 v3, $0x1  }
0x64: {  	v3 =	vand.u32 $0x7, v3;
	v4 =	vand.u32 $0xFFFFFFF0, v58  }
0x65: {  	v3 =	vor.u32 v3, v4  }
0x66: {  	v4 =	vperm.xlane v3, v0;
	_ =	sdelay $0x1  }
0x67: {  	v3 =	vperm.xlane v3, v2;
	v4 =	vadd.s32 v1, v4;
	_ =	sdelay $0x1  }
0x68: {  	v3 =	vadd.s32 v1, v3;
	_ =	sdelay $0x2  }
0x69: {  	[tilespmem:s14], [sflag:$0x2] =	stream.indirect_vreg.gather [hbm4b:s1+s3], $0x80, v4, vm0, $0xb8;
	[tilespmem:$0xC100] =	vst v63  }
0x6a: {  	_ = 	snop  }
0x6b: {  	[tilespmem:s15], [sflag:$0x2] =	stream.indirect_vreg.gather [hbm4b:s1+s3], $0x80, v3, vm0, $0xb8;
	[tilespmem:$0xC100] =	vst v63  }
0x6c: {  	v3 =	vld [tilespmem:$0x90];
	_ =	sdelay $0x4  }
0x6d: {  	v59 =	vshll.u32 v3, $0x1  }
0x6e: {  	v3 =	vand.u32 $0x7, v3;
	v4 =	vand.u32 $0xFFFFFFF0, v59  }
0x6f: {  	v3 =	vor.u32 v3, v4  }
0x70: {  	v4 =	vperm.xlane v3, v0;
	_ =	sdelay $0x1  }
0x71: {  	v3 =	vperm.xlane v3, v2;
	v4 =	vadd.s32 v1, v4;
	_ =	sdelay $0x1  }
0x72: {  	v3 =	vadd.s32 v1, v3;
	_ =	sdelay $0x2  }
0x73: {  	[tilespmem:s16], [sflag:$0x2] =	stream.indirect_vreg.gather [hbm4b:s1+s3], $0x80, v4, vm0, $0xb8;
	[tilespmem:$0xC100] =	vst v63  }
0x74: {  	_ = 	snop  }
0x75: {  	[tilespmem:s17], [sflag:$0x2] =	stream.indirect_vreg.gather [hbm4b:s1+s3], $0x80, v3, vm0, $0xb8;
	[tilespmem:$0xC100] =	vst v63  }
0x76: {  	v3 =	vld [tilespmem:$0xA0];
	_ =	sdelay $0x4  }
0x77: {  	v60 =	vshll.u32 v3, $0x1  }
0x78: {  	v3 =	vand.u32 $0x7, v3;
	v4 =	vand.u32 $0xFFFFFFF0, v60  }
0x79: {  	v3 =	vor.u32 v3, v4  }
0x7a: {  	v4 =	vperm.xlane v3, v0;
	_ =	sdelay $0x1  }
0x7b: {  	v3 =	vperm.xlane v3, v2;
	v4 =	vadd.s32 v1, v4;
	_ =	sdelay $0x1  }
0x7c: {  	v3 =	vadd.s32 v1, v3;
	_ =	sdelay $0x2  }
0x7d: {  	[tilespmem:s18], [sflag:$0x2] =	stream.indirect_vreg.gather [hbm4b:s1+s3], $0x80, v4, vm0, $0xb8;
	[tilespmem:$0xC100] =	vst v63  }
0x7e: {  	_ = 	snop  }
0x7f: {  	[tilespmem:s19], [sflag:$0x2] =	stream.indirect_vreg.gather [hbm4b:s1+s3], $0x80, v3, vm0, $0xb8;
	[tilespmem:$0xC100] =	vst v63  }
0x80: {  	v3 =	vld [tilespmem:$0xB0];
	_ =	sdelay $0x4  }
0x81: {  	v61 =	vshll.u32 v3, $0x1  }
0x82: {  	v3 =	vand.u32 $0x7, v3;
	v4 =	vand.u32 $0xFFFFFFF0, v61  }
0x83: {  	v3 =	vor.u32 v3, v4  }
0x84: {  	v4 =	vperm.xlane v3, v0;
	_ =	sdelay $0x1  }
0x85: {  	v3 =	vperm.xlane v3, v2;
	v4 =	vadd.s32 v1, v4;
	_ =	sdelay $0x1  }
0x86: {  	v3 =	vadd.s32 v1, v3;
	_ =	sdelay $0x2  }
0x87: {  	[tilespmem:s20], [sflag:$0x2] =	stream.indirect_vreg.gather [hbm4b:s1+s3], $0x80, v4, vm0, $0xb8;
	[tilespmem:$0xC100] =	vst v63  }
0x88: {  	_ = 	snop  }
0x89: {  	[tilespmem:s21], [sflag:$0x2] =	stream.indirect_vreg.gather [hbm4b:s1+s3], $0x80, v3, vm0, $0xb8;
	[tilespmem:$0xC100] =	vst v63  }
0x8a: {  	v3 =	vld [tilespmem:$0xC0];
	_ =	sdelay $0x4  }
0x8b: {  	v62 =	vshll.u32 v3, $0x1  }
0x8c: {  	v3 =	vand.u32 $0x7, v3;
	v4 =	vand.u32 $0xFFFFFFF0, v62  }
0x8d: {  	v3 =	vor.u32 v3, v4  }
0x8e: {  	v4 =	vperm.xlane v3, v0;
	_ =	sdelay $0x1  }
0x8f: {  	v3 =	vperm.xlane v3, v2;
	v4 =	vadd.s32 v1, v4;
	_ =	sdelay $0x1  }
0x90: {  	v3 =	vadd.s32 v1, v3;
	_ =	sdelay $0x2  }
0x91: {  	[tilespmem:s22], [sflag:$0x2] =	stream.indirect_vreg.gather [hbm4b:s1+s3], $0x80, v4, vm0, $0xb8;
	[tilespmem:$0xC100] =	vst v63  }
0x92: {  	_ = 	snop  }
0x93: {  	[tilespmem:s23], [sflag:$0x2] =	stream.indirect_vreg.gather [hbm4b:s1+s3], $0x80, v3, vm0, $0xb8;
	[tilespmem:$0xC100] =	vst v63  }
0x94: {  	v3 =	vld [tilespmem:$0xD0];
	_ =	sdelay $0x4  }
0x95: {  	v63 =	vshll.u32 v3, $0x1  }
0x96: {  	v3 =	vand.u32 $0x7, v3;
	v4 =	vand.u32 $0xFFFFFFF0, v63  }
0x97: {  	v3 =	vor.u32 v3, v4  }
0x98: {  	v4 =	vperm.xlane v3, v0;
	_ =	sdelay $0x1  }
0x99: {  	v3 =	vperm.xlane v3, v2;
	v4 =	vadd.s32 v1, v4;
	_ =	sdelay $0x1  }
0x9a: {  	v3 =	vadd.s32 v1, v3;
	_ =	sdelay $0x2  }
0x9b: {  	[tilespmem:s24], [sflag:$0x2] =	stream.indirect_vreg.gather [hbm4b:s1+s3], $0x80, v4, vm0, $0xb8;
	[tilespmem:$0xC100] =	vst v63  }
0x9c: {  	_ = 	snop  }
0x9d: {  	[tilespmem:s25], [sflag:$0x2] =	stream.indirect_vreg.gather [hbm4b:s1+s3], $0x80, v3, vm0, $0xb8;
	[tilespmem:$0xC100] =	vst v63  }
0x9e: {  	_ =	swait.ge [sflag:s26], $0x6000  }
0x9f: {  	[sflag:s26] =	ssyncset.done $0x0  }
0xa0: {  	s0 =	rddreg [dreg:$0x6];
	[sflag:s26] =	ssyncadd.s32 $0xFFFFA000  }
0xa1: {  	[hbm4b:s0+s28] =	stream.strided.scatter [tilespmem:s6], [sflag:$0x3], $0x2000, s29, s28, $0x38;
	[tilespmem:$0xC100] =	vst v63  }
0xa2: {  	s8 =	rddreg [dreg:$0x7]  }
0xa3: {  	[hbm4b:s8+s28] =	stream.strided.scatter [tilespmem:s7], [sflag:$0x3], $0x2000, s29, s28, $0x38;
	[tilespmem:$0xC100] =	vst v63  }
0xa4: {  	s0 =	rddreg [dreg:$0x8]  }
0xa5: {  	[hbm4b:s0+s28] =	stream.strided.scatter [tilespmem:s10], [sflag:$0x3], $0x2000, s29, s28, $0x38;
	[tilespmem:$0xC100] =	vst v63  }
0xa6: {  	_ =	swait.ge [sflag:s30], $0x6000  }
0xa7: {  	[sflag:s30] =	ssyncset.done $0x0  }
0xa8: {  	s0 =	rddreg [dreg:$0x9];
	[sflag:s30] =	ssyncadd.s32 $0xFFFFA000  }
0xa9: {  	[hbm4b:s0+s28] =	stream.strided.scatter [tilespmem:s14], [sflag:$0x4], $0x2000, s29, s28, $0x38;
	[tilespmem:$0xC100] =	vst v63  }
0xaa: {  	s8 =	rddreg [dreg:$0xa]  }
0xab: {  	[hbm4b:s8+s28] =	stream.strided.scatter [tilespmem:s18], [sflag:$0x4], $0x2000, s29, s28, $0x38;
	[tilespmem:$0xC100] =	vst v63  }
0xac: {  	s0 =	rddreg [dreg:$0xb]  }
0xad: {  	[hbm4b:s0+s28] =	stream.strided.scatter [tilespmem:s22], [sflag:$0x4], $0x2000, s29, s28, $0x38;
	[tilespmem:$0xC100] =	vst v63  }
0xae: {  	_ =	swait.ge [sflag:s31], $0x2000  }
0xaf: {  	[sflag:s31] =	ssyncset.done $0x0  }
0xb0: {  	[sflag:s31] =	ssyncadd.s32 $0xFFFFE000  }
0xb1: {  	_ =	swait.ge [sflag:s31], $0x2000  }
0xb2: {  	[sflag:s31] =	ssyncset.done $0x0  }
0xb3: {  	[sflag:s31] =	ssyncadd.s32 $0xFFFFE000  }
0xb4: {  	_ =	swait.ge [sflag:s31], $0x2000  }
0xb5: {  	[sflag:s31] =	ssyncset.done $0x0  }
0xb6: {  	[sflag:s31] =	ssyncadd.s32 $0xFFFFE000  }
0xb7: {  	_ =	swait.ge [sflag:s2], $0x2000  }
0xb8: {  	[sflag:s2] =	ssyncset.done $0x0  }
0xb9: {  	[sflag:s2] =	ssyncadd.s32 $0xFFFFE000  }
0xba: {  	p0 =	sne.s32 s4, $0x1;
	_ =	swait.ge [sflag:s2], $0x2000  }
.Ltmp0:
0xbb: {  	[sflag:s2] =	ssyncset.done $0x0;
	(pc) =	sbr.rel @p0 .LBB2_1-.Ltmp0, $4  }
0xbc: {  	[sflag:s2] =	ssyncadd.s32 $0xFFFFE000  }
0xbd: {  	_ =	swait.ge [sflag:s2], $0x2000  }
0xbe: {  	[sflag:s2] =	ssyncset.done $0x0  }
0xbf: {  	s4 =	sadd.s32 $0xFFFFFFFF, s4;
	[sflag:s2] =	ssyncadd.s32 $0xFFFFE000  }
0xc0: {  	_ =	sfence.sel $0x180000  }
0xc1: {  	[bflag:$0x0] =	sbarrier.arrive $0xFFFF  }
0xc2: {  	_ =	strace $0x90000047  }
0xc3: {  	s0 =	stileid.u32;
	[bflag:$0x2] =	sbarrier.arrive $0xFFFF  }
0xc4: {  	p0 =	sne.s32 s0, $0x0;
	s0 =	rddreg [dreg:$0x3]  }
0xc5: {  	s0 =	sadd.s32 @!p0 $0x100000, s0  }
0xc6: {  	[sflag:s0] =	ssyncadd.tile.s32 @!p0 $0x1;
	_ =	shalt  }
.Lfunc_end2:
_tile_overlayer_lowered:
.L_overlay_start_2:
0xc7: {  	(tag) =	ssettag $0x2  }
0xc8: {  	s0 =	rddreg [dreg:$0x0];
	s2 =	stileid.u32  }
0xc9: {  	s1 =	rddreg [dreg:$0x1];
	p0 =	sne.s32 s2, $0x0  }
0xca: {  	s3 =	rddreg [dreg:$0x2];
	[bflag:$0x3] =	sbarrier.arrive $0xFFFF;
	s2 =	simm.s32 @!p0 $0x1C05  }
0xcb: {  	[timem:s3], [sflag:s2] =	dma.local @!p0 [hbm:s0], s1  }
0xcc: {  	s0 =	simm.s32 @!p0 $0x5  }
0xcd: {  	_ =	swait.ge @!p0 [sflag:s0], s1  }
0xce: {  	s1 =	ssub.s32 @!p0 $0x0, s1;
	[sflag:s0] =	ssyncset.done @!p0 $0x0  }
0xcf: {  	[sflag:s0] =	ssyncadd.s32 @!p0 s1  }
0xd0: {  	[bflag:$0x3] =	sbarrier.arrive $0xFFFF  }
0xd1: {  	_ =	shalt  }

</sc_bundles>
